<compile_context>
chip_gen: v7x
topology: tpu7x:2x2x1
jax: 0.10.2.dev20260603
libtpu: 0.0.44.dev20260713+nightly
codegen_flags: <defaults>
</compile_context>

<pallas_src>
import functools

import jax
import jax.numpy as jnp
from jax import lax
from jax.experimental import pallas as pl
from jax.experimental.pallas import tpu as pltpu
from jax.experimental.pallas import tpu_sc as plsc

NC = 2
NS = 16
NW = NC * NS

DEG = 32
D = 128
B_PAD = 10240
B_PER_W = B_PAD // NW
N_SLICE = 8
SLICE_ROWS = B_PER_W // N_SLICE
N_SELF = 4
SELF_ROWS = B_PER_W // N_SELF


def _sc_gather_body(neigh_hbm, nodes_hbm, table_hbm,
                    self_out, nsum_out,
                    idxs, sidx, oslab, sslab,
                    sem0, sem1, sem2, sem3, sem4, sem5, sem6, sem7,
                    ssem):
    wid = lax.axis_index("s") * NC + lax.axis_index("c")

    pltpu.sync_copy(nodes_hbm.at[pl.ds(wid * B_PER_W, B_PER_W)], sidx)
    pltpu.sync_copy(neigh_hbm.at[pl.ds(wid * B_PER_W * DEG, B_PER_W * DEG)],
                    idxs)

    for j in range(N_SELF):
        pltpu.async_copy(
            table_hbm.at[sidx.at[pl.ds(j * SELF_ROWS, SELF_ROWS)]],
            sslab.at[pl.ds(j * SELF_ROWS, SELF_ROWS)], ssem)

    sems = (sem0, sem1, sem2, sem3, sem4, sem5, sem6, sem7)

    def gather(k, b, add):
        src = table_hbm.at[idxs.at[pl.ds(k * B_PER_W + b * SLICE_ROWS,
                                         SLICE_ROWS)]]
        dst = oslab.at[pl.ds(b * SLICE_ROWS, SLICE_ROWS)]
        pltpu.async_copy(src, dst, sems[b], add=add)

    for b in range(N_SLICE):
        gather(0, b, False)

    def outer(k, carry):
        for b in range(N_SLICE):
            src = table_hbm.at[idxs.at[pl.ds(k * B_PER_W + b * SLICE_ROWS,
                                             SLICE_ROWS)]]
            dst = oslab.at[pl.ds(b * SLICE_ROWS, SLICE_ROWS)]
            pltpu.make_async_copy(src, dst, sems[b]).wait()

            @pl.when(k + 1 < DEG)
            def _(k=k, b=b):
                gather(k + 1, b, True)
        return carry

    lax.fori_loop(0, DEG, outer, 0)

    pltpu.sync_copy(oslab, nsum_out.at[pl.ds(wid * B_PER_W, B_PER_W)])

    for j in range(N_SELF):
        pltpu.make_async_copy(
            table_hbm.at[sidx.at[pl.ds(j * SELF_ROWS, SELF_ROWS)]],
            sslab.at[pl.ds(j * SELF_ROWS, SELF_ROWS)], ssem).wait()
    pltpu.sync_copy(sslab, self_out.at[pl.ds(wid * B_PER_W, B_PER_W)])


@jax.jit
def _sc_gather(neigh_flat, nodes_flat, table):
    mesh = plsc.VectorSubcoreMesh(core_axis_name="c", subcore_axis_name="s",
                                  num_cores=NC, num_subcores=NS)
    fn = functools.partial(
        pl.kernel,
        out_type=(
            jax.ShapeDtypeStruct((B_PAD, D), jnp.float32),
            jax.ShapeDtypeStruct((B_PAD, D), jnp.float32),
        ),
        mesh=mesh,
        scratch_types=[
            pltpu.VMEM((B_PER_W * DEG,), jnp.int32),
            pltpu.VMEM((B_PER_W,), jnp.int32),
            pltpu.VMEM((B_PER_W, D), jnp.float32),
            pltpu.VMEM((B_PER_W, D), jnp.float32),
        ] + [pltpu.SemaphoreType.DMA] * 9,
    )(_sc_gather_body)
    return fn(neigh_flat, nodes_flat, table)


def _mm_body(self_ref, nsum_ref, wa_ref, wb_ref, b_ref, o_ref):
    x = (jnp.dot(self_ref[...], wa_ref[...], preferred_element_type=jnp.float32)
         + jnp.dot(nsum_ref[...], wb_ref[...], preferred_element_type=jnp.float32)
         + b_ref[...])
    o_ref[...] = jnp.maximum(x, 0.0)


def _combine(self_rows, nsum, wa, wb_scaled, b2d, n_out):
    blk = 1024
    return pl.pallas_call(
        _mm_body,
        grid=(B_PAD // blk,),
        in_specs=[
            pl.BlockSpec((blk, D), lambda i: (i, 0)),
            pl.BlockSpec((blk, D), lambda i: (i, 0)),
            pl.BlockSpec((D, D), lambda i: (0, 0)),
            pl.BlockSpec((D, D), lambda i: (0, 0)),
            pl.BlockSpec((1, D), lambda i: (0, 0)),
        ],
        out_specs=pl.BlockSpec((blk, D), lambda i: (i, 0)),
        out_shape=jax.ShapeDtypeStruct((n_out, D), jnp.float32),
    )(self_rows, nsum, wa, wb_scaled, b2d)


def kernel(nodes, neighbors, table, W1, b1):
    B = nodes.shape[0]
    pad = B_PAD - B
    n_nodes = table.shape[0]
    pad_nodes = (jnp.arange(pad, dtype=jnp.int32) * 131) % n_nodes
    pad_neigh = ((jnp.arange(pad * DEG, dtype=jnp.int32) * 131) % n_nodes
                 ).reshape(pad, DEG)
    nodes_p = jnp.concatenate([nodes, pad_nodes])
    neigh_p = jnp.concatenate([neighbors, pad_neigh], axis=0)
    neigh_flat = neigh_p.reshape(NW, B_PER_W, DEG).transpose(0, 2, 1).reshape(-1)
    self_rows, nsum = _sc_gather(neigh_flat, nodes_p, table)
    wa = W1[:D]
    wb_scaled = W1[D:] * (1.0 / DEG)
    return _combine(self_rows, nsum, wa, wb_scaled, b1.reshape(1, D), B)

# --- scband reference (transcript-rebuilt; emitter-appended) ---
"""Pipeline reference for scband-social-encoder-22419729285144 (READ-ONLY COPY).

The authoritative reference and input builder live on the scoring server;
editing this copy changes nothing except your own understanding.
"""

import jax, jax.numpy as jnp
import numpy as np

N_NODES = 100000
EMBED_DIM = 128
BATCH = 10000
DEG = 32

def setup_inputs(seed: int = 0) -> dict:
    key = jax.random.key(seed)
    k1, k2, k3, k4 = jax.random.split(key, 4)
    # forward args
    nodes = jax.random.randint(k1, (BATCH,), 0, N_NODES, dtype=jnp.int32)
    # padded neighbor lists materialized from social_adj_lists (avg_degree=32)
    neighbors = jax.random.randint(k2, (BATCH, DEG), 0, N_NODES, dtype=jnp.int32)
    # learned parameters
    # user latent-factor table (the `features` embedding, i.e. h^I per user)
    table = jax.random.normal(k3, (N_NODES, EMBED_DIM), dtype=jnp.float32) * 0.02
    # linear1: nn.Linear(2*embed_dim, embed_dim)
    W1 = jax.random.normal(k4, (2 * EMBED_DIM, EMBED_DIM), dtype=jnp.float32) * (1.0 / np.sqrt(2 * EMBED_DIM))
    b1 = jnp.zeros((EMBED_DIM,), dtype=jnp.float32)
    return {"nodes": nodes, "neighbors": neighbors, "table": table, "W1": W1, "b1": b1}

def reference(nodes, neighbors, table, W1, b1):
    # aggregator.forward(nodes, neighbor_list):
    # gather each node's social neighbors' item-space latent factors (h^I)
    # and aggregate (mean) -> h^S inputs
    B, D = neighbors.shape
    neigh_feats = jnp.take(table, neighbors.reshape(-1), axis=0).reshape(B, D, EMBED_DIM)
    neighbor_features = jnp.mean(neigh_feats, axis=1)  # [B, embed_dim]
    # self.features(nodes).t() : the torch code stores features transposed,
    # so features(nodes).t() is just a row-gather of the table
    self_features = jnp.take(table, nodes, axis=0)  # [B, embed_dim]
    combined_feature = jnp.concatenate([self_features, neighbor_features], axis=1)  # [B, 2*embed_dim]
    combined_feature = jax.nn.relu(combined_feature @ W1 + b1)  # [B, embed_dim]
    return combined_feature

if __name__ == "__main__":
    import jax
    _d = setup_inputs()
    print(jax.jit(kernel)(*tuple(_d.values())))

</pallas_src>

<mosaic_0001>
#map = affine_map<(d0, d1) -> (0)>
#map1 = affine_map<(d0, d1) -> (0, 0)>
module attributes {stable_mosaic.version = 14 : i64} {
  func.func @_sc_gather_body(%arg0: i32, %arg1: i32, %arg2: memref<327680xi32, #tpu.memory_space<hbm>>, %arg3: memref<10240xi32, #tpu.memory_space<hbm>>, %arg4: memref<100000x128xf32, #tpu.memory_space<hbm>>, %arg5: memref<10240x128xf32, #tpu.memory_space<hbm>>, %arg6: memref<10240x128xf32, #tpu.memory_space<hbm>>, %arg7: memref<10240xi32, #tpu.memory_space<vmem>>, %arg8: memref<320xi32, #tpu.memory_space<vmem>>, %arg9: memref<320x128xf32, #tpu.memory_space<vmem>>, %arg10: memref<320x128xf32, #tpu.memory_space<vmem>>, %arg11: memref<!tpu.dma_semaphore, #tpu.memory_space<semaphore_mem>>, %arg12: memref<!tpu.dma_semaphore, #tpu.memory_space<semaphore_mem>>, %arg13: memref<!tpu.dma_semaphore, #tpu.memory_space<semaphore_mem>>, %arg14: memref<!tpu.dma_semaphore, #tpu.memory_space<semaphore_mem>>, %arg15: memref<!tpu.dma_semaphore, #tpu.memory_space<semaphore_mem>>, %arg16: memref<!tpu.dma_semaphore, #tpu.memory_space<semaphore_mem>>, %arg17: memref<!tpu.dma_semaphore, #tpu.memory_space<semaphore_mem>>, %arg18: memref<!tpu.dma_semaphore, #tpu.memory_space<semaphore_mem>>, %arg19: memref<!tpu.dma_semaphore, #tpu.memory_space<semaphore_mem>>) attributes {dimension_semantics = [#tpu.dimension_semantics<core_parallel>, #tpu.dimension_semantics<subcore_parallel>], iteration_bounds = array<i64: 2, 16>, scalar_prefetch = 0 : i64, scratch_operands = 13 : i64, tpu.core_type = #tpu.core_type<sc_vector_subcore>, window_params = [{transform_indices = #map}, {transform_indices = #map}, {transform_indices = #map1}, {transform_indices = #map1}, {transform_indices = #map1}]} {
    %mul3A = arith.constant 2 : i32
    %mul3A_0 = arith.muli %arg1, %mul3A : i32
    %add3A = arith.addi %mul3A_0, %arg0 : i32
    %mul3A_1 = arith.constant 320 : i32
    %mul3A_2 = arith.muli %add3A, %mul3A_1 : i32
    "tpu.region"() ({
      %run_scoped3A = tpu.sem_alloc : memref<!tpu.dma_semaphore, #tpu.memory_space<semaphore_mem>>
      %dma_start3A_142 = tpu.memref_slice %arg3[%mul3A_2] : memref<10240xi32, #tpu.memory_space<hbm>> -> memref<320xi32, #tpu.memory_space<hbm>>
      %dma_start3A_143 = tpu.memref_slice %arg3[%mul3A_2] : memref<10240xi32, #tpu.memory_space<hbm>> -> memref<320xi32, #tpu.memory_space<hbm>>
      tpu.enqueue_dma source(%dma_start3A_143 : memref<320xi32, #tpu.memory_space<hbm>>) target(%arg8 : memref<320xi32, #tpu.memory_space<vmem>>) target_semaphore(%run_scoped3A : memref<!tpu.dma_semaphore, #tpu.memory_space<semaphore_mem>>)
      %dma_wait3A_144 = tpu.memref_slice %arg3[%mul3A_2] : memref<10240xi32, #tpu.memory_space<hbm>> -> memref<320xi32, #tpu.memory_space<hbm>>
      %dma_wait3A_145 = tpu.memref_slice %arg3[%mul3A_2] : memref<10240xi32, #tpu.memory_space<hbm>> -> memref<320xi32, #tpu.memory_space<hbm>>
      tpu.wait_dma2 semaphore(%run_scoped3A : memref<!tpu.dma_semaphore, #tpu.memory_space<semaphore_mem>>) src(%dma_wait3A_145 : memref<320xi32, #tpu.memory_space<hbm>>) dst(%arg8 : memref<320xi32, #tpu.memory_space<vmem>>)
      tpu.yield
    }) : () -> ()
    %mul3A_3 = arith.constant 320 : i32
    %mul3A_4 = arith.muli %add3A, %mul3A_3 : i32
    %mul3A_5 = arith.constant 32 : i32
    %mul3A_6 = arith.muli %mul3A_4, %mul3A_5 : i32
    "tpu.region"() ({
      %run_scoped3A = tpu.sem_alloc : memref<!tpu.dma_semaphore, #tpu.memory_space<semaphore_mem>>
      %dma_start3A_142 = tpu.memref_slice %arg2[%mul3A_6] : memref<327680xi32, #tpu.memory_space<hbm>> -> memref<10240xi32, #tpu.memory_space<hbm>>
      %dma_start3A_143 = tpu.memref_slice %arg2[%mul3A_6] : memref<327680xi32, #tpu.memory_space<hbm>> -> memref<10240xi32, #tpu.memory_space<hbm>>
      tpu.enqueue_dma source(%dma_start3A_143 : memref<10240xi32, #tpu.memory_space<hbm>>) target(%arg7 : memref<10240xi32, #tpu.memory_space<vmem>>) target_semaphore(%run_scoped3A : memref<!tpu.dma_semaphore, #tpu.memory_space<semaphore_mem>>)
      %dma_wait3A_144 = tpu.memref_slice %arg2[%mul3A_6] : memref<327680xi32, #tpu.memory_space<hbm>> -> memref<10240xi32, #tpu.memory_space<hbm>>
      %dma_wait3A_145 = tpu.memref_slice %arg2[%mul3A_6] : memref<327680xi32, #tpu.memory_space<hbm>> -> memref<10240xi32, #tpu.memory_space<hbm>>
      tpu.wait_dma2 semaphore(%run_scoped3A : memref<!tpu.dma_semaphore, #tpu.memory_space<semaphore_mem>>) src(%dma_wait3A_145 : memref<10240xi32, #tpu.memory_space<hbm>>) dst(%arg7 : memref<10240xi32, #tpu.memory_space<vmem>>)
      tpu.yield
    }) : () -> ()
    %dma_start3A = arith.constant 0 : i32
    %dma_start3A_7 = arith.constant 0 : i32
    %dma_start3A_8 = tpu.memref_slice %arg10[%dma_start3A, %dma_start3A_7] : memref<320x128xf32, #tpu.memory_space<vmem>> -> memref<80x128xf32, #tpu.memory_space<vmem>>
    %dma_start3A_9 = arith.constant 0 : i32
    %dma_start3A_10 = tpu.memref_slice %arg8[%dma_start3A_9] : memref<320xi32, #tpu.memory_space<vmem>> -> memref<80xi32, #tpu.memory_space<vmem>>
    %dma_start3A_11 = arith.constant 0 : i32
    %dma_start3A_12 = arith.constant 0 : i32
    %dma_start3A_13 = tpu.memref_slice %arg4[%dma_start3A_11, %dma_start3A_12] : memref<100000x128xf32, #tpu.memory_space<hbm>> -> memref<100000x128xf32, #tpu.memory_space<hbm>>
    tpu.enqueue_indirect_dma source(%dma_start3A_13 : memref<100000x128xf32, #tpu.memory_space<hbm>>) target(%dma_start3A_8 : memref<80x128xf32, #tpu.memory_space<vmem>>) offsets(%dma_start3A_10 : memref<80xi32, #tpu.memory_space<vmem>>) semaphore(%arg19 : memref<!tpu.dma_semaphore, #tpu.memory_space<semaphore_mem>>)
    %dma_start3A_14 = arith.constant 80 : i32
    %dma_start3A_15 = arith.constant 0 : i32
    %dma_start3A_16 = tpu.memref_slice %arg10[%dma_start3A_14, %dma_start3A_15] : memref<320x128xf32, #tpu.memory_space<vmem>> -> memref<80x128xf32, #tpu.memory_space<vmem>>
    %dma_start3A_17 = arith.constant 80 : i32
    %dma_start3A_18 = tpu.memref_slice %arg8[%dma_start3A_17] : memref<320xi32, #tpu.memory_space<vmem>> -> memref<80xi32, #tpu.memory_space<vmem>>
    %dma_start3A_19 = arith.constant 0 : i32
    %dma_start3A_20 = arith.constant 0 : i32
    %dma_start3A_21 = tpu.memref_slice %arg4[%dma_start3A_19, %dma_start3A_20] : memref<100000x128xf32, #tpu.memory_space<hbm>> -> memref<100000x128xf32, #tpu.memory_space<hbm>>
    tpu.enqueue_indirect_dma source(%dma_start3A_21 : memref<100000x128xf32, #tpu.memory_space<hbm>>) target(%dma_start3A_16 : memref<80x128xf32, #tpu.memory_space<vmem>>) offsets(%dma_start3A_18 : memref<80xi32, #tpu.memory_space<vmem>>) semaphore(%arg19 : memref<!tpu.dma_semaphore, #tpu.memory_space<semaphore_mem>>)
    %dma_start3A_22 = arith.constant 160 : i32
    %dma_start3A_23 = arith.constant 0 : i32
    %dma_start3A_24 = tpu.memref_slice %arg10[%dma_start3A_22, %dma_start3A_23] : memref<320x128xf32, #tpu.memory_space<vmem>> -> memref<80x128xf32, #tpu.memory_space<vmem>>
    %dma_start3A_25 = arith.constant 160 : i32
    %dma_start3A_26 = tpu.memref_slice %arg8[%dma_start3A_25] : memref<320xi32, #tpu.memory_space<vmem>> -> memref<80xi32, #tpu.memory_space<vmem>>
    %dma_start3A_27 = arith.constant 0 : i32
    %dma_start3A_28 = arith.constant 0 : i32
    %dma_start3A_29 = tpu.memref_slice %arg4[%dma_start3A_27, %dma_start3A_28] : memref<100000x128xf32, #tpu.memory_space<hbm>> -> memref<100000x128xf32, #tpu.memory_space<hbm>>
    tpu.enqueue_indirect_dma source(%dma_start3A_29 : memref<100000x128xf32, #tpu.memory_space<hbm>>) target(%dma_start3A_24 : memref<80x128xf32, #tpu.memory_space<vmem>>) offsets(%dma_start3A_26 : memref<80xi32, #tpu.memory_space<vmem>>) semaphore(%arg19 : memref<!tpu.dma_semaphore, #tpu.memory_space<semaphore_mem>>)
    %dma_start3A_30 = arith.constant 240 : i32
    %dma_start3A_31 = arith.constant 0 : i32
    %dma_start3A_32 = tpu.memref_slice %arg10[%dma_start3A_30, %dma_start3A_31] : memref<320x128xf32, #tpu.memory_space<vmem>> -> memref<80x128xf32, #tpu.memory_space<vmem>>
    %dma_start3A_33 = arith.constant 240 : i32
    %dma_start3A_34 = tpu.memref_slice %arg8[%dma_start3A_33] : memref<320xi32, #tpu.memory_space<vmem>> -> memref<80xi32, #tpu.memory_space<vmem>>
    %dma_start3A_35 = arith.constant 0 : i32
    %dma_start3A_36 = arith.constant 0 : i32
    %dma_start3A_37 = tpu.memref_slice %arg4[%dma_start3A_35, %dma_start3A_36] : memref<100000x128xf32, #tpu.memory_space<hbm>> -> memref<100000x128xf32, #tpu.memory_space<hbm>>
    tpu.enqueue_indirect_dma source(%dma_start3A_37 : memref<100000x128xf32, #tpu.memory_space<hbm>>) target(%dma_start3A_32 : memref<80x128xf32, #tpu.memory_space<vmem>>) offsets(%dma_start3A_34 : memref<80xi32, #tpu.memory_space<vmem>>) semaphore(%arg19 : memref<!tpu.dma_semaphore, #tpu.memory_space<semaphore_mem>>)
    %dma_start3A_38 = arith.constant 0 : i32
    %dma_start3A_39 = arith.constant 0 : i32
    %dma_start3A_40 = tpu.memref_slice %arg9[%dma_start3A_38, %dma_start3A_39] : memref<320x128xf32, #tpu.memory_space<vmem>> -> memref<40x128xf32, #tpu.memory_space<vmem>>
    %dma_start3A_41 = arith.constant 0 : i32
    %dma_start3A_42 = tpu.memref_slice %arg7[%dma_start3A_41] : memref<10240xi32, #tpu.memory_space<vmem>> -> memref<40xi32, #tpu.memory_space<vmem>>
    %dma_start3A_43 = arith.constant 0 : i32
    %dma_start3A_44 = arith.constant 0 : i32
    %dma_start3A_45 = tpu.memref_slice %arg4[%dma_start3A_43, %dma_start3A_44] : memref<100000x128xf32, #tpu.memory_space<hbm>> -> memref<100000x128xf32, #tpu.memory_space<hbm>>
    tpu.enqueue_indirect_dma source(%dma_start3A_45 : memref<100000x128xf32, #tpu.memory_space<hbm>>) target(%dma_start3A_40 : memref<40x128xf32, #tpu.memory_space<vmem>>) offsets(%dma_start3A_42 : memref<40xi32, #tpu.memory_space<vmem>>) semaphore(%arg11 : memref<!tpu.dma_semaphore, #tpu.memory_space<semaphore_mem>>)
    %dma_start3A_46 = arith.constant 40 : i32
    %dma_start3A_47 = arith.constant 0 : i32
    %dma_start3A_48 = tpu.memref_slice %arg9[%dma_start3A_46, %dma_start3A_47] : memref<320x128xf32, #tpu.memory_space<vmem>> -> memref<40x128xf32, #tpu.memory_space<vmem>>
    %dma_start3A_49 = arith.constant 40 : i32
    %dma_start3A_50 = tpu.memref_slice %arg7[%dma_start3A_49] : memref<10240xi32, #tpu.memory_space<vmem>> -> memref<40xi32, #tpu.memory_space<vmem>>
    %dma_start3A_51 = arith.constant 0 : i32
    %dma_start3A_52 = arith.constant 0 : i32
    %dma_start3A_53 = tpu.memref_slice %arg4[%dma_start3A_51, %dma_start3A_52] : memref<100000x128xf32, #tpu.memory_space<hbm>> -> memref<100000x128xf32, #tpu.memory_space<hbm>>
    tpu.enqueue_indirect_dma source(%dma_start3A_53 : memref<100000x128xf32, #tpu.memory_space<hbm>>) target(%dma_start3A_48 : memref<40x128xf32, #tpu.memory_space<vmem>>) offsets(%dma_start3A_50 : memref<40xi32, #tpu.memory_space<vmem>>) semaphore(%arg12 : memref<!tpu.dma_semaphore, #tpu.memory_space<semaphore_mem>>)
    %dma_start3A_54 = arith.constant 80 : i32
    %dma_start3A_55 = arith.constant 0 : i32
    %dma_start3A_56 = tpu.memref_slice %arg9[%dma_start3A_54, %dma_start3A_55] : memref<320x128xf32, #tpu.memory_space<vmem>> -> memref<40x128xf32, #tpu.memory_space<vmem>>
    %dma_start3A_57 = arith.constant 80 : i32
    %dma_start3A_58 = tpu.memref_slice %arg7[%dma_start3A_57] : memref<10240xi32, #tpu.memory_space<vmem>> -> memref<40xi32, #tpu.memory_space<vmem>>
    %dma_start3A_59 = arith.constant 0 : i32
    %dma_start3A_60 = arith.constant 0 : i32
    %dma_start3A_61 = tpu.memref_slice %arg4[%dma_start3A_59, %dma_start3A_60] : memref<100000x128xf32, #tpu.memory_space<hbm>> -> memref<100000x128xf32, #tpu.memory_space<hbm>>
    tpu.enqueue_indirect_dma source(%dma_start3A_61 : memref<100000x128xf32, #tpu.memory_space<hbm>>) target(%dma_start3A_56 : memref<40x128xf32, #tpu.memory_space<vmem>>) offsets(%dma_start3A_58 : memref<40xi32, #tpu.memory_space<vmem>>) semaphore(%arg13 : memref<!tpu.dma_semaphore, #tpu.memory_space<semaphore_mem>>)
    %dma_start3A_62 = arith.constant 120 : i32
    %dma_start3A_63 = arith.constant 0 : i32
    %dma_start3A_64 = tpu.memref_slice %arg9[%dma_start3A_62, %dma_start3A_63] : memref<320x128xf32, #tpu.memory_space<vmem>> -> memref<40x128xf32, #tpu.memory_space<vmem>>
    %dma_start3A_65 = arith.constant 120 : i32
    %dma_start3A_66 = tpu.memref_slice %arg7[%dma_start3A_65] : memref<10240xi32, #tpu.memory_space<vmem>> -> memref<40xi32, #tpu.memory_space<vmem>>
    %dma_start3A_67 = arith.constant 0 : i32
    %dma_start3A_68 = arith.constant 0 : i32
    %dma_start3A_69 = tpu.memref_slice %arg4[%dma_start3A_67, %dma_start3A_68] : memref<100000x128xf32, #tpu.memory_space<hbm>> -> memref<100000x128xf32, #tpu.memory_space<hbm>>
    tpu.enqueue_indirect_dma source(%dma_start3A_69 : memref<100000x128xf32, #tpu.memory_space<hbm>>) target(%dma_start3A_64 : memref<40x128xf32, #tpu.memory_space<vmem>>) offsets(%dma_start3A_66 : memref<40xi32, #tpu.memory_space<vmem>>) semaphore(%arg14 : memref<!tpu.dma_semaphore, #tpu.memory_space<semaphore_mem>>)
    %dma_start3A_70 = arith.constant 160 : i32
    %dma_start3A_71 = arith.constant 0 : i32
    %dma_start3A_72 = tpu.memref_slice %arg9[%dma_start3A_70, %dma_start3A_71] : memref<320x128xf32, #tpu.memory_space<vmem>> -> memref<40x128xf32, #tpu.memory_space<vmem>>
    %dma_start3A_73 = arith.constant 160 : i32
    %dma_start3A_74 = tpu.memref_slice %arg7[%dma_start3A_73] : memref<10240xi32, #tpu.memory_space<vmem>> -> memref<40xi32, #tpu.memory_space<vmem>>
    %dma_start3A_75 = arith.constant 0 : i32
    %dma_start3A_76 = arith.constant 0 : i32
    %dma_start3A_77 = tpu.memref_slice %arg4[%dma_start3A_75, %dma_start3A_76] : memref<100000x128xf32, #tpu.memory_space<hbm>> -> memref<100000x128xf32, #tpu.memory_space<hbm>>
    tpu.enqueue_indirect_dma source(%dma_start3A_77 : memref<100000x128xf32, #tpu.memory_space<hbm>>) target(%dma_start3A_72 : memref<40x128xf32, #tpu.memory_space<vmem>>) offsets(%dma_start3A_74 : memref<40xi32, #tpu.memory_space<vmem>>) semaphore(%arg15 : memref<!tpu.dma_semaphore, #tpu.memory_space<semaphore_mem>>)
    %dma_start3A_78 = arith.constant 200 : i32
    %dma_start3A_79 = arith.constant 0 : i32
    %dma_start3A_80 = tpu.memref_slice %arg9[%dma_start3A_78, %dma_start3A_79] : memref<320x128xf32, #tpu.memory_space<vmem>> -> memref<40x128xf32, #tpu.memory_space<vmem>>
    %dma_start3A_81 = arith.constant 200 : i32
    %dma_start3A_82 = tpu.memref_slice %arg7[%dma_start3A_81] : memref<10240xi32, #tpu.memory_space<vmem>> -> memref<40xi32, #tpu.memory_space<vmem>>
    %dma_start3A_83 = arith.constant 0 : i32
    %dma_start3A_84 = arith.constant 0 : i32
    %dma_start3A_85 = tpu.memref_slice %arg4[%dma_start3A_83, %dma_start3A_84] : memref<100000x128xf32, #tpu.memory_space<hbm>> -> memref<100000x128xf32, #tpu.memory_space<hbm>>
    tpu.enqueue_indirect_dma source(%dma_start3A_85 : memref<100000x128xf32, #tpu.memory_space<hbm>>) target(%dma_start3A_80 : memref<40x128xf32, #tpu.memory_space<vmem>>) offsets(%dma_start3A_82 : memref<40xi32, #tpu.memory_space<vmem>>) semaphore(%arg16 : memref<!tpu.dma_semaphore, #tpu.memory_space<semaphore_mem>>)
    %dma_start3A_86 = arith.constant 240 : i32
    %dma_start3A_87 = arith.constant 0 : i32
    %dma_start3A_88 = tpu.memref_slice %arg9[%dma_start3A_86, %dma_start3A_87] : memref<320x128xf32, #tpu.memory_space<vmem>> -> memref<40x128xf32, #tpu.memory_space<vmem>>
    %dma_start3A_89 = arith.constant 240 : i32
    %dma_start3A_90 = tpu.memref_slice %arg7[%dma_start3A_89] : memref<10240xi32, #tpu.memory_space<vmem>> -> memref<40xi32, #tpu.memory_space<vmem>>
    %dma_start3A_91 = arith.constant 0 : i32
    %dma_start3A_92 = arith.constant 0 : i32
    %dma_start3A_93 = tpu.memref_slice %arg4[%dma_start3A_91, %dma_start3A_92] : memref<100000x128xf32, #tpu.memory_space<hbm>> -> memref<100000x128xf32, #tpu.memory_space<hbm>>
    tpu.enqueue_indirect_dma source(%dma_start3A_93 : memref<100000x128xf32, #tpu.memory_space<hbm>>) target(%dma_start3A_88 : memref<40x128xf32, #tpu.memory_space<vmem>>) offsets(%dma_start3A_90 : memref<40xi32, #tpu.memory_space<vmem>>) semaphore(%arg17 : memref<!tpu.dma_semaphore, #tpu.memory_space<semaphore_mem>>)
    %dma_start3A_94 = arith.constant 280 : i32
    %dma_start3A_95 = arith.constant 0 : i32
    %dma_start3A_96 = tpu.memref_slice %arg9[%dma_start3A_94, %dma_start3A_95] : memref<320x128xf32, #tpu.memory_space<vmem>> -> memref<40x128xf32, #tpu.memory_space<vmem>>
    %dma_start3A_97 = arith.constant 280 : i32
    %dma_start3A_98 = tpu.memref_slice %arg7[%dma_start3A_97] : memref<10240xi32, #tpu.memory_space<vmem>> -> memref<40xi32, #tpu.memory_space<vmem>>
    %dma_start3A_99 = arith.constant 0 : i32
    %dma_start3A_100 = arith.constant 0 : i32
    %dma_start3A_101 = tpu.memref_slice %arg4[%dma_start3A_99, %dma_start3A_100] : memref<100000x128xf32, #tpu.memory_space<hbm>> -> memref<100000x128xf32, #tpu.memory_space<hbm>>
    tpu.enqueue_indirect_dma source(%dma_start3A_101 : memref<100000x128xf32, #tpu.memory_space<hbm>>) target(%dma_start3A_96 : memref<40x128xf32, #tpu.memory_space<vmem>>) offsets(%dma_start3A_98 : memref<40xi32, #tpu.memory_space<vmem>>) semaphore(%arg18 : memref<!tpu.dma_semaphore, #tpu.memory_space<semaphore_mem>>)
    %scan3A = arith.constant 0 : i32
    %scan3A_102 = arith.constant 0 : i32
    %scan3A_103 = arith.constant 32 : i32
    %scan3A_104 = arith.addi %scan3A_102, %scan3A_103 : i32
    %scan3A_105 = arith.constant 1 : i32
    scf.for %scan3A_142 = %scan3A_102 to %scan3A_104 step %scan3A_105  : i32 {
      %mul3A_143 = arith.constant 320 : i32
      %mul3A_144 = arith.muli %scan3A_142, %mul3A_143 : i32
      %add3A_145 = arith.constant 0 : i32
      %add3A_146 = arith.addi %mul3A_144, %add3A_145 : i32
      %dma_wait3A_147 = arith.constant 0 : i32
      %dma_wait3A_148 = arith.constant 0 : i32
      %dma_wait3A_149 = tpu.memref_slice %arg9[%dma_wait3A_147, %dma_wait3A_148] : memref<320x128xf32, #tpu.memory_space<vmem>> -> memref<40x128xf32, #tpu.memory_space<vmem>>
      %dma_wait3A_150 = tpu.memref_slice %arg7[%add3A_146] : memref<10240xi32, #tpu.memory_space<vmem>> -> memref<40xi32, #tpu.memory_space<vmem>>
      %dma_wait3A_151 = arith.constant 0 : i32
      %dma_wait3A_152 = arith.constant 0 : i32
      %dma_wait3A_153 = tpu.memref_slice %arg4[%dma_wait3A_151, %dma_wait3A_152] : memref<100000x128xf32, #tpu.memory_space<hbm>> -> memref<100000x128xf32, #tpu.memory_space<hbm>>
      tpu.wait_indirect_dma semaphore(%arg11 : memref<!tpu.dma_semaphore, #tpu.memory_space<semaphore_mem>>) src(%dma_wait3A_153 : memref<100000x128xf32, #tpu.memory_space<hbm>>) dst(%dma_wait3A_149 : memref<40x128xf32, #tpu.memory_space<vmem>>)
      %add3A_154 = arith.constant 1 : i32
      %add3A_155 = arith.addi %scan3A_142, %add3A_154 : i32
      %lt3A = arith.constant 32 : i32
      %lt3A_156 = arith.cmpi slt, %add3A_155, %lt3A : i32
      %convert_element_type3A = arith.extui %lt3A_156 : i1 to i32
      %cond3A = arith.constant 0 : i32
      %cond3A_157 = arith.cmpi ne, %convert_element_type3A, %cond3A : i32
      scf.if %cond3A_157 {
        %add3A_284 = arith.constant 1 : i32
        %add3A_285 = arith.addi %scan3A_142, %add3A_284 : i32
        %mul3A_286 = arith.constant 320 : i32
        %mul3A_287 = arith.muli %add3A_285, %mul3A_286 : i32
        %add3A_288 = arith.constant 0 : i32
        %add3A_289 = arith.addi %mul3A_287, %add3A_288 : i32
        %dma_start3A_290 = arith.constant 0 : i32
        %dma_start3A_291 = arith.constant 0 : i32
        %dma_start3A_292 = tpu.memref_slice %arg9[%dma_start3A_290, %dma_start3A_291] : memref<320x128xf32, #tpu.memory_space<vmem>> -> memref<40x128xf32, #tpu.memory_space<vmem>>
        %dma_start3A_293 = tpu.memref_slice %arg7[%add3A_289] : memref<10240xi32, #tpu.memory_space<vmem>> -> memref<40xi32, #tpu.memory_space<vmem>>
        %dma_start3A_294 = arith.constant 0 : i32
        %dma_start3A_295 = arith.constant 0 : i32
        %dma_start3A_296 = tpu.memref_slice %arg4[%dma_start3A_294, %dma_start3A_295] : memref<100000x128xf32, #tpu.memory_space<hbm>> -> memref<100000x128xf32, #tpu.memory_space<hbm>>
        tpu.enqueue_indirect_dma source(%dma_start3A_296 : memref<100000x128xf32, #tpu.memory_space<hbm>>) target(%dma_start3A_292 : memref<40x128xf32, #tpu.memory_space<vmem>>) offsets(%dma_start3A_293 : memref<40xi32, #tpu.memory_space<vmem>>) semaphore(%arg11 : memref<!tpu.dma_semaphore, #tpu.memory_space<semaphore_mem>>) {add = true}
      } else {
      }
      %mul3A_158 = arith.constant 320 : i32
      %mul3A_159 = arith.muli %scan3A_142, %mul3A_158 : i32
      %add3A_160 = arith.constant 40 : i32
      %add3A_161 = arith.addi %mul3A_159, %add3A_160 : i32
      %dma_wait3A_162 = arith.constant 40 : i32
      %dma_wait3A_163 = arith.constant 0 : i32
      %dma_wait3A_164 = tpu.memref_slice %arg9[%dma_wait3A_162, %dma_wait3A_163] : memref<320x128xf32, #tpu.memory_space<vmem>> -> memref<40x128xf32, #tpu.memory_space<vmem>>
      %dma_wait3A_165 = tpu.memref_slice %arg7[%add3A_161] : memref<10240xi32, #tpu.memory_space<vmem>> -> memref<40xi32, #tpu.memory_space<vmem>>
      %dma_wait3A_166 = arith.constant 0 : i32
      %dma_wait3A_167 = arith.constant 0 : i32
      %dma_wait3A_168 = tpu.memref_slice %arg4[%dma_wait3A_166, %dma_wait3A_167] : memref<100000x128xf32, #tpu.memory_space<hbm>> -> memref<100000x128xf32, #tpu.memory_space<hbm>>
      tpu.wait_indirect_dma semaphore(%arg12 : memref<!tpu.dma_semaphore, #tpu.memory_space<semaphore_mem>>) src(%dma_wait3A_168 : memref<100000x128xf32, #tpu.memory_space<hbm>>) dst(%dma_wait3A_164 : memref<40x128xf32, #tpu.memory_space<vmem>>)
      %add3A_169 = arith.constant 1 : i32
      %add3A_170 = arith.addi %scan3A_142, %add3A_169 : i32
      %lt3A_171 = arith.constant 32 : i32
      %lt3A_172 = arith.cmpi slt, %add3A_170, %lt3A_171 : i32
      %convert_element_type3A_173 = arith.extui %lt3A_172 : i1 to i32
      %cond3A_174 = arith.constant 0 : i32
      %cond3A_175 = arith.cmpi ne, %convert_element_type3A_173, %cond3A_174 : i32
      scf.if %cond3A_175 {
        %add3A_284 = arith.constant 1 : i32
        %add3A_285 = arith.addi %scan3A_142, %add3A_284 : i32
        %mul3A_286 = arith.constant 320 : i32
        %mul3A_287 = arith.muli %add3A_285, %mul3A_286 : i32
        %add3A_288 = arith.constant 40 : i32
        %add3A_289 = arith.addi %mul3A_287, %add3A_288 : i32
        %dma_start3A_290 = arith.constant 40 : i32
        %dma_start3A_291 = arith.constant 0 : i32
        %dma_start3A_292 = tpu.memref_slice %arg9[%dma_start3A_290, %dma_start3A_291] : memref<320x128xf32, #tpu.memory_space<vmem>> -> memref<40x128xf32, #tpu.memory_space<vmem>>
        %dma_start3A_293 = tpu.memref_slice %arg7[%add3A_289] : memref<10240xi32, #tpu.memory_space<vmem>> -> memref<40xi32, #tpu.memory_space<vmem>>
        %dma_start3A_294 = arith.constant 0 : i32
        %dma_start3A_295 = arith.constant 0 : i32
        %dma_start3A_296 = tpu.memref_slice %arg4[%dma_start3A_294, %dma_start3A_295] : memref<100000x128xf32, #tpu.memory_space<hbm>> -> memref<100000x128xf32, #tpu.memory_space<hbm>>
        tpu.enqueue_indirect_dma source(%dma_start3A_296 : memref<100000x128xf32, #tpu.memory_space<hbm>>) target(%dma_start3A_292 : memref<40x128xf32, #tpu.memory_space<vmem>>) offsets(%dma_start3A_293 : memref<40xi32, #tpu.memory_space<vmem>>) semaphore(%arg12 : memref<!tpu.dma_semaphore, #tpu.memory_space<semaphore_mem>>) {add = true}
      } else {
      }
      %mul3A_176 = arith.constant 320 : i32
      %mul3A_177 = arith.muli %scan3A_142, %mul3A_176 : i32
      %add3A_178 = arith.constant 80 : i32
      %add3A_179 = arith.addi %mul3A_177, %add3A_178 : i32
      %dma_wait3A_180 = arith.constant 80 : i32
      %dma_wait3A_181 = arith.constant 0 : i32
      %dma_wait3A_182 = tpu.memref_slice %arg9[%dma_wait3A_180, %dma_wait3A_181] : memref<320x128xf32, #tpu.memory_space<vmem>> -> memref<40x128xf32, #tpu.memory_space<vmem>>
      %dma_wait3A_183 = tpu.memref_slice %arg7[%add3A_179] : memref<10240xi32, #tpu.memory_space<vmem>> -> memref<40xi32, #tpu.memory_space<vmem>>
      %dma_wait3A_184 = arith.constant 0 : i32
      %dma_wait3A_185 = arith.constant 0 : i32
      %dma_wait3A_186 = tpu.memref_slice %arg4[%dma_wait3A_184, %dma_wait3A_185] : memref<100000x128xf32, #tpu.memory_space<hbm>> -> memref<100000x128xf32, #tpu.memory_space<hbm>>
      tpu.wait_indirect_dma semaphore(%arg13 : memref<!tpu.dma_semaphore, #tpu.memory_space<semaphore_mem>>) src(%dma_wait3A_186 : memref<100000x128xf32, #tpu.memory_space<hbm>>) dst(%dma_wait3A_182 : memref<40x128xf32, #tpu.memory_space<vmem>>)
      %add3A_187 = arith.constant 1 : i32
      %add3A_188 = arith.addi %scan3A_142, %add3A_187 : i32
      %lt3A_189 = arith.constant 32 : i32
      %lt3A_190 = arith.cmpi slt, %add3A_188, %lt3A_189 : i32
      %convert_element_type3A_191 = arith.extui %lt3A_190 : i1 to i32
      %cond3A_192 = arith.constant 0 : i32
      %cond3A_193 = arith.cmpi ne, %convert_element_type3A_191, %cond3A_192 : i32
      scf.if %cond3A_193 {
        %add3A_284 = arith.constant 1 : i32
        %add3A_285 = arith.addi %scan3A_142, %add3A_284 : i32
        %mul3A_286 = arith.constant 320 : i32
        %mul3A_287 = arith.muli %add3A_285, %mul3A_286 : i32
        %add3A_288 = arith.constant 80 : i32
        %add3A_289 = arith.addi %mul3A_287, %add3A_288 : i32
        %dma_start3A_290 = arith.constant 80 : i32
        %dma_start3A_291 = arith.constant 0 : i32
        %dma_start3A_292 = tpu.memref_slice %arg9[%dma_start3A_290, %dma_start3A_291] : memref<320x128xf32, #tpu.memory_space<vmem>> -> memref<40x128xf32, #tpu.memory_space<vmem>>
        %dma_start3A_293 = tpu.memref_slice %arg7[%add3A_289] : memref<10240xi32, #tpu.memory_space<vmem>> -> memref<40xi32, #tpu.memory_space<vmem>>
        %dma_start3A_294 = arith.constant 0 : i32
        %dma_start3A_295 = arith.constant 0 : i32
        %dma_start3A_296 = tpu.memref_slice %arg4[%dma_start3A_294, %dma_start3A_295] : memref<100000x128xf32, #tpu.memory_space<hbm>> -> memref<100000x128xf32, #tpu.memory_space<hbm>>
        tpu.enqueue_indirect_dma source(%dma_start3A_296 : memref<100000x128xf32, #tpu.memory_space<hbm>>) target(%dma_start3A_292 : memref<40x128xf32, #tpu.memory_space<vmem>>) offsets(%dma_start3A_293 : memref<40xi32, #tpu.memory_space<vmem>>) semaphore(%arg13 : memref<!tpu.dma_semaphore, #tpu.memory_space<semaphore_mem>>) {add = true}
      } else {
      }
      %mul3A_194 = arith.constant 320 : i32
      %mul3A_195 = arith.muli %scan3A_142, %mul3A_194 : i32
      %add3A_196 = arith.constant 120 : i32
      %add3A_197 = arith.addi %mul3A_195, %add3A_196 : i32
      %dma_wait3A_198 = arith.constant 120 : i32
      %dma_wait3A_199 = arith.constant 0 : i32
      %dma_wait3A_200 = tpu.memref_slice %arg9[%dma_wait3A_198, %dma_wait3A_199] : memref<320x128xf32, #tpu.memory_space<vmem>> -> memref<40x128xf32, #tpu.memory_space<vmem>>
      %dma_wait3A_201 = tpu.memref_slice %arg7[%add3A_197] : memref<10240xi32, #tpu.memory_space<vmem>> -> memref<40xi32, #tpu.memory_space<vmem>>
      %dma_wait3A_202 = arith.constant 0 : i32
      %dma_wait3A_203 = arith.constant 0 : i32
      %dma_wait3A_204 = tpu.memref_slice %arg4[%dma_wait3A_202, %dma_wait3A_203] : memref<100000x128xf32, #tpu.memory_space<hbm>> -> memref<100000x128xf32, #tpu.memory_space<hbm>>
      tpu.wait_indirect_dma semaphore(%arg14 : memref<!tpu.dma_semaphore, #tpu.memory_space<semaphore_mem>>) src(%dma_wait3A_204 : memref<100000x128xf32, #tpu.memory_space<hbm>>) dst(%dma_wait3A_200 : memref<40x128xf32, #tpu.memory_space<vmem>>)
      %add3A_205 = arith.constant 1 : i32
      %add3A_206 = arith.addi %scan3A_142, %add3A_205 : i32
      %lt3A_207 = arith.constant 32 : i32
      %lt3A_208 = arith.cmpi slt, %add3A_206, %lt3A_207 : i32
      %convert_element_type3A_209 = arith.extui %lt3A_208 : i1 to i32
      %cond3A_210 = arith.constant 0 : i32
      %cond3A_211 = arith.cmpi ne, %convert_element_type3A_209, %cond3A_210 : i32
      scf.if %cond3A_211 {
        %add3A_284 = arith.constant 1 : i32
        %add3A_285 = arith.addi %scan3A_142, %add3A_284 : i32
        %mul3A_286 = arith.constant 320 : i32
        %mul3A_287 = arith.muli %add3A_285, %mul3A_286 : i32
        %add3A_288 = arith.constant 120 : i32
        %add3A_289 = arith.addi %mul3A_287, %add3A_288 : i32
        %dma_start3A_290 = arith.constant 120 : i32
        %dma_start3A_291 = arith.constant 0 : i32
        %dma_start3A_292 = tpu.memref_slice %arg9[%dma_start3A_290, %dma_start3A_291] : memref<320x128xf32, #tpu.memory_space<vmem>> -> memref<40x128xf32, #tpu.memory_space<vmem>>
        %dma_start3A_293 = tpu.memref_slice %arg7[%add3A_289] : memref<10240xi32, #tpu.memory_space<vmem>> -> memref<40xi32, #tpu.memory_space<vmem>>
        %dma_start3A_294 = arith.constant 0 : i32
        %dma_start3A_295 = arith.constant 0 : i32
        %dma_start3A_296 = tpu.memref_slice %arg4[%dma_start3A_294, %dma_start3A_295] : memref<100000x128xf32, #tpu.memory_space<hbm>> -> memref<100000x128xf32, #tpu.memory_space<hbm>>
        tpu.enqueue_indirect_dma source(%dma_start3A_296 : memref<100000x128xf32, #tpu.memory_space<hbm>>) target(%dma_start3A_292 : memref<40x128xf32, #tpu.memory_space<vmem>>) offsets(%dma_start3A_293 : memref<40xi32, #tpu.memory_space<vmem>>) semaphore(%arg14 : memref<!tpu.dma_semaphore, #tpu.memory_space<semaphore_mem>>) {add = true}
      } else {
      }
      %mul3A_212 = arith.constant 320 : i32
      %mul3A_213 = arith.muli %scan3A_142, %mul3A_212 : i32
      %add3A_214 = arith.constant 160 : i32
      %add3A_215 = arith.addi %mul3A_213, %add3A_214 : i32
      %dma_wait3A_216 = arith.constant 160 : i32
      %dma_wait3A_217 = arith.constant 0 : i32
      %dma_wait3A_218 = tpu.memref_slice %arg9[%dma_wait3A_216, %dma_wait3A_217] : memref<320x128xf32, #tpu.memory_space<vmem>> -> memref<40x128xf32, #tpu.memory_space<vmem>>
      %dma_wait3A_219 = tpu.memref_slice %arg7[%add3A_215] : memref<10240xi32, #tpu.memory_space<vmem>> -> memref<40xi32, #tpu.memory_space<vmem>>
      %dma_wait3A_220 = arith.constant 0 : i32
      %dma_wait3A_221 = arith.constant 0 : i32
      %dma_wait3A_222 = tpu.memref_slice %arg4[%dma_wait3A_220, %dma_wait3A_221] : memref<100000x128xf32, #tpu.memory_space<hbm>> -> memref<100000x128xf32, #tpu.memory_space<hbm>>
      tpu.wait_indirect_dma semaphore(%arg15 : memref<!tpu.dma_semaphore, #tpu.memory_space<semaphore_mem>>) src(%dma_wait3A_222 : memref<100000x128xf32, #tpu.memory_space<hbm>>) dst(%dma_wait3A_218 : memref<40x128xf32, #tpu.memory_space<vmem>>)
      %add3A_223 = arith.constant 1 : i32
      %add3A_224 = arith.addi %scan3A_142, %add3A_223 : i32
      %lt3A_225 = arith.constant 32 : i32
      %lt3A_226 = arith.cmpi slt, %add3A_224, %lt3A_225 : i32
      %convert_element_type3A_227 = arith.extui %lt3A_226 : i1 to i32
      %cond3A_228 = arith.constant 0 : i32
      %cond3A_229 = arith.cmpi ne, %convert_element_type3A_227, %cond3A_228 : i32
      scf.if %cond3A_229 {
        %add3A_284 = arith.constant 1 : i32
        %add3A_285 = arith.addi %scan3A_142, %add3A_284 : i32
        %mul3A_286 = arith.constant 320 : i32
        %mul3A_287 = arith.muli %add3A_285, %mul3A_286 : i32
        %add3A_288 = arith.constant 160 : i32
        %add3A_289 = arith.addi %mul3A_287, %add3A_288 : i32
        %dma_start3A_290 = arith.constant 160 : i32
        %dma_start3A_291 = arith.constant 0 : i32
        %dma_start3A_292 = tpu.memref_slice %arg9[%dma_start3A_290, %dma_start3A_291] : memref<320x128xf32, #tpu.memory_space<vmem>> -> memref<40x128xf32, #tpu.memory_space<vmem>>
        %dma_start3A_293 = tpu.memref_slice %arg7[%add3A_289] : memref<10240xi32, #tpu.memory_space<vmem>> -> memref<40xi32, #tpu.memory_space<vmem>>
        %dma_start3A_294 = arith.constant 0 : i32
        %dma_start3A_295 = arith.constant 0 : i32
        %dma_start3A_296 = tpu.memref_slice %arg4[%dma_start3A_294, %dma_start3A_295] : memref<100000x128xf32, #tpu.memory_space<hbm>> -> memref<100000x128xf32, #tpu.memory_space<hbm>>
        tpu.enqueue_indirect_dma source(%dma_start3A_296 : memref<100000x128xf32, #tpu.memory_space<hbm>>) target(%dma_start3A_292 : memref<40x128xf32, #tpu.memory_space<vmem>>) offsets(%dma_start3A_293 : memref<40xi32, #tpu.memory_space<vmem>>) semaphore(%arg15 : memref<!tpu.dma_semaphore, #tpu.memory_space<semaphore_mem>>) {add = true}
      } else {
      }
      %mul3A_230 = arith.constant 320 : i32
      %mul3A_231 = arith.muli %scan3A_142, %mul3A_230 : i32
      %add3A_232 = arith.constant 200 : i32
      %add3A_233 = arith.addi %mul3A_231, %add3A_232 : i32
      %dma_wait3A_234 = arith.constant 200 : i32
      %dma_wait3A_235 = arith.constant 0 : i32
      %dma_wait3A_236 = tpu.memref_slice %arg9[%dma_wait3A_234, %dma_wait3A_235] : memref<320x128xf32, #tpu.memory_space<vmem>> -> memref<40x128xf32, #tpu.memory_space<vmem>>
      %dma_wait3A_237 = tpu.memref_slice %arg7[%add3A_233] : memref<10240xi32, #tpu.memory_space<vmem>> -> memref<40xi32, #tpu.memory_space<vmem>>
      %dma_wait3A_238 = arith.constant 0 : i32
      %dma_wait3A_239 = arith.constant 0 : i32
      %dma_wait3A_240 = tpu.memref_slice %arg4[%dma_wait3A_238, %dma_wait3A_239] : memref<100000x128xf32, #tpu.memory_space<hbm>> -> memref<100000x128xf32, #tpu.memory_space<hbm>>
      tpu.wait_indirect_dma semaphore(%arg16 : memref<!tpu.dma_semaphore, #tpu.memory_space<semaphore_mem>>) src(%dma_wait3A_240 : memref<100000x128xf32, #tpu.memory_space<hbm>>) dst(%dma_wait3A_236 : memref<40x128xf32, #tpu.memory_space<vmem>>)
      %add3A_241 = arith.constant 1 : i32
      %add3A_242 = arith.addi %scan3A_142, %add3A_241 : i32
      %lt3A_243 = arith.constant 32 : i32
      %lt3A_244 = arith.cmpi slt, %add3A_242, %lt3A_243 : i32
      %convert_element_type3A_245 = arith.extui %lt3A_244 : i1 to i32
      %cond3A_246 = arith.constant 0 : i32
      %cond3A_247 = arith.cmpi ne, %convert_element_type3A_245, %cond3A_246 : i32
      scf.if %cond3A_247 {
        %add3A_284 = arith.constant 1 : i32
        %add3A_285 = arith.addi %scan3A_142, %add3A_284 : i32
        %mul3A_286 = arith.constant 320 : i32
        %mul3A_287 = arith.muli %add3A_285, %mul3A_286 : i32
        %add3A_288 = arith.constant 200 : i32
        %add3A_289 = arith.addi %mul3A_287, %add3A_288 : i32
        %dma_start3A_290 = arith.constant 200 : i32
        %dma_start3A_291 = arith.constant 0 : i32
        %dma_start3A_292 = tpu.memref_slice %arg9[%dma_start3A_290, %dma_start3A_291] : memref<320x128xf32, #tpu.memory_space<vmem>> -> memref<40x128xf32, #tpu.memory_space<vmem>>
        %dma_start3A_293 = tpu.memref_slice %arg7[%add3A_289] : memref<10240xi32, #tpu.memory_space<vmem>> -> memref<40xi32, #tpu.memory_space<vmem>>
        %dma_start3A_294 = arith.constant 0 : i32
        %dma_start3A_295 = arith.constant 0 : i32
        %dma_start3A_296 = tpu.memref_slice %arg4[%dma_start3A_294, %dma_start3A_295] : memref<100000x128xf32, #tpu.memory_space<hbm>> -> memref<100000x128xf32, #tpu.memory_space<hbm>>
        tpu.enqueue_indirect_dma source(%dma_start3A_296 : memref<100000x128xf32, #tpu.memory_space<hbm>>) target(%dma_start3A_292 : memref<40x128xf32, #tpu.memory_space<vmem>>) offsets(%dma_start3A_293 : memref<40xi32, #tpu.memory_space<vmem>>) semaphore(%arg16 : memref<!tpu.dma_semaphore, #tpu.memory_space<semaphore_mem>>) {add = true}
      } else {
      }
      %mul3A_248 = arith.constant 320 : i32
      %mul3A_249 = arith.muli %scan3A_142, %mul3A_248 : i32
      %add3A_250 = arith.constant 240 : i32
      %add3A_251 = arith.addi %mul3A_249, %add3A_250 : i32
      %dma_wait3A_252 = arith.constant 240 : i32
      %dma_wait3A_253 = arith.constant 0 : i32
      %dma_wait3A_254 = tpu.memref_slice %arg9[%dma_wait3A_252, %dma_wait3A_253] : memref<320x128xf32, #tpu.memory_space<vmem>> -> memref<40x128xf32, #tpu.memory_space<vmem>>
      %dma_wait3A_255 = tpu.memref_slice %arg7[%add3A_251] : memref<10240xi32, #tpu.memory_space<vmem>> -> memref<40xi32, #tpu.memory_space<vmem>>
      %dma_wait3A_256 = arith.constant 0 : i32
      %dma_wait3A_257 = arith.constant 0 : i32
      %dma_wait3A_258 = tpu.memref_slice %arg4[%dma_wait3A_256, %dma_wait3A_257] : memref<100000x128xf32, #tpu.memory_space<hbm>> -> memref<100000x128xf32, #tpu.memory_space<hbm>>
      tpu.wait_indirect_dma semaphore(%arg17 : memref<!tpu.dma_semaphore, #tpu.memory_space<semaphore_mem>>) src(%dma_wait3A_258 : memref<100000x128xf32, #tpu.memory_space<hbm>>) dst(%dma_wait3A_254 : memref<40x128xf32, #tpu.memory_space<vmem>>)
      %add3A_259 = arith.constant 1 : i32
      %add3A_260 = arith.addi %scan3A_142, %add3A_259 : i32
      %lt3A_261 = arith.constant 32 : i32
      %lt3A_262 = arith.cmpi slt, %add3A_260, %lt3A_261 : i32
      %convert_element_type3A_263 = arith.extui %lt3A_262 : i1 to i32
      %cond3A_264 = arith.constant 0 : i32
      %cond3A_265 = arith.cmpi ne, %convert_element_type3A_263, %cond3A_264 : i32
      scf.if %cond3A_265 {
        %add3A_284 = arith.constant 1 : i32
        %add3A_285 = arith.addi %scan3A_142, %add3A_284 : i32
        %mul3A_286 = arith.constant 320 : i32
        %mul3A_287 = arith.muli %add3A_285, %mul3A_286 : i32
        %add3A_288 = arith.constant 240 : i32
        %add3A_289 = arith.addi %mul3A_287, %add3A_288 : i32
        %dma_start3A_290 = arith.constant 240 : i32
        %dma_start3A_291 = arith.constant 0 : i32
        %dma_start3A_292 = tpu.memref_slice %arg9[%dma_start3A_290, %dma_start3A_291] : memref<320x128xf32, #tpu.memory_space<vmem>> -> memref<40x128xf32, #tpu.memory_space<vmem>>
        %dma_start3A_293 = tpu.memref_slice %arg7[%add3A_289] : memref<10240xi32, #tpu.memory_space<vmem>> -> memref<40xi32, #tpu.memory_space<vmem>>
        %dma_start3A_294 = arith.constant 0 : i32
        %dma_start3A_295 = arith.constant 0 : i32
        %dma_start3A_296 = tpu.memref_slice %arg4[%dma_start3A_294, %dma_start3A_295] : memref<100000x128xf32, #tpu.memory_space<hbm>> -> memref<100000x128xf32, #tpu.memory_space<hbm>>
        tpu.enqueue_indirect_dma source(%dma_start3A_296 : memref<100000x128xf32, #tpu.memory_space<hbm>>) target(%dma_start3A_292 : memref<40x128xf32, #tpu.memory_space<vmem>>) offsets(%dma_start3A_293 : memref<40xi32, #tpu.memory_space<vmem>>) semaphore(%arg17 : memref<!tpu.dma_semaphore, #tpu.memory_space<semaphore_mem>>) {add = true}
      } else {
      }
      %mul3A_266 = arith.constant 320 : i32
      %mul3A_267 = arith.muli %scan3A_142, %mul3A_266 : i32
      %add3A_268 = arith.constant 280 : i32
      %add3A_269 = arith.addi %mul3A_267, %add3A_268 : i32
      %dma_wait3A_270 = arith.constant 280 : i32
      %dma_wait3A_271 = arith.constant 0 : i32
      %dma_wait3A_272 = tpu.memref_slice %arg9[%dma_wait3A_270, %dma_wait3A_271] : memref<320x128xf32, #tpu.memory_space<vmem>> -> memref<40x128xf32, #tpu.memory_space<vmem>>
      %dma_wait3A_273 = tpu.memref_slice %arg7[%add3A_269] : memref<10240xi32, #tpu.memory_space<vmem>> -> memref<40xi32, #tpu.memory_space<vmem>>
      %dma_wait3A_274 = arith.constant 0 : i32
      %dma_wait3A_275 = arith.constant 0 : i32
      %dma_wait3A_276 = tpu.memref_slice %arg4[%dma_wait3A_274, %dma_wait3A_275] : memref<100000x128xf32, #tpu.memory_space<hbm>> -> memref<100000x128xf32, #tpu.memory_space<hbm>>
      tpu.wait_indirect_dma semaphore(%arg18 : memref<!tpu.dma_semaphore, #tpu.memory_space<semaphore_mem>>) src(%dma_wait3A_276 : memref<100000x128xf32, #tpu.memory_space<hbm>>) dst(%dma_wait3A_272 : memref<40x128xf32, #tpu.memory_space<vmem>>)
      %add3A_277 = arith.constant 1 : i32
      %add3A_278 = arith.addi %scan3A_142, %add3A_277 : i32
      %lt3A_279 = arith.constant 32 : i32
      %lt3A_280 = arith.cmpi slt, %add3A_278, %lt3A_279 : i32
      %convert_element_type3A_281 = arith.extui %lt3A_280 : i1 to i32
      %cond3A_282 = arith.constant 0 : i32
      %cond3A_283 = arith.cmpi ne, %convert_element_type3A_281, %cond3A_282 : i32
      scf.if %cond3A_283 {
        %add3A_284 = arith.constant 1 : i32
        %add3A_285 = arith.addi %scan3A_142, %add3A_284 : i32
        %mul3A_286 = arith.constant 320 : i32
        %mul3A_287 = arith.muli %add3A_285, %mul3A_286 : i32
        %add3A_288 = arith.constant 280 : i32
        %add3A_289 = arith.addi %mul3A_287, %add3A_288 : i32
        %dma_start3A_290 = arith.constant 280 : i32
        %dma_start3A_291 = arith.constant 0 : i32
        %dma_start3A_292 = tpu.memref_slice %arg9[%dma_start3A_290, %dma_start3A_291] : memref<320x128xf32, #tpu.memory_space<vmem>> -> memref<40x128xf32, #tpu.memory_space<vmem>>
        %dma_start3A_293 = tpu.memref_slice %arg7[%add3A_289] : memref<10240xi32, #tpu.memory_space<vmem>> -> memref<40xi32, #tpu.memory_space<vmem>>
        %dma_start3A_294 = arith.constant 0 : i32
        %dma_start3A_295 = arith.constant 0 : i32
        %dma_start3A_296 = tpu.memref_slice %arg4[%dma_start3A_294, %dma_start3A_295] : memref<100000x128xf32, #tpu.memory_space<hbm>> -> memref<100000x128xf32, #tpu.memory_space<hbm>>
        tpu.enqueue_indirect_dma source(%dma_start3A_296 : memref<100000x128xf32, #tpu.memory_space<hbm>>) target(%dma_start3A_292 : memref<40x128xf32, #tpu.memory_space<vmem>>) offsets(%dma_start3A_293 : memref<40xi32, #tpu.memory_space<vmem>>) semaphore(%arg18 : memref<!tpu.dma_semaphore, #tpu.memory_space<semaphore_mem>>) {add = true}
      } else {
      }
    }
    %scan3A_106 = arith.constant 32 : i32
    %mul3A_107 = arith.constant 320 : i32
    %mul3A_108 = arith.muli %add3A, %mul3A_107 : i32
    "tpu.region"() ({
      %run_scoped3A = tpu.sem_alloc : memref<!tpu.dma_semaphore, #tpu.memory_space<semaphore_mem>>
      %dma_start3A_142 = arith.constant 0 : i32
      %dma_start3A_143 = tpu.memref_slice %arg6[%mul3A_108, %dma_start3A_142] : memref<10240x128xf32, #tpu.memory_space<hbm>> -> memref<320x128xf32, #tpu.memory_space<hbm>>
      %dma_start3A_144 = arith.constant 0 : i32
      %dma_start3A_145 = tpu.memref_slice %arg6[%mul3A_108, %dma_start3A_144] : memref<10240x128xf32, #tpu.memory_space<hbm>> -> memref<320x128xf32, #tpu.memory_space<hbm>>
      tpu.enqueue_dma source(%arg9 : memref<320x128xf32, #tpu.memory_space<vmem>>) target(%dma_start3A_145 : memref<320x128xf32, #tpu.memory_space<hbm>>) target_semaphore(%run_scoped3A : memref<!tpu.dma_semaphore, #tpu.memory_space<semaphore_mem>>)
      %dma_wait3A_146 = arith.constant 0 : i32
      %dma_wait3A_147 = tpu.memref_slice %arg6[%mul3A_108, %dma_wait3A_146] : memref<10240x128xf32, #tpu.memory_space<hbm>> -> memref<320x128xf32, #tpu.memory_space<hbm>>
      %dma_wait3A_148 = arith.constant 0 : i32
      %dma_wait3A_149 = tpu.memref_slice %arg6[%mul3A_108, %dma_wait3A_148] : memref<10240x128xf32, #tpu.memory_space<hbm>> -> memref<320x128xf32, #tpu.memory_space<hbm>>
      tpu.wait_dma2 semaphore(%run_scoped3A : memref<!tpu.dma_semaphore, #tpu.memory_space<semaphore_mem>>) src(%arg9 : memref<320x128xf32, #tpu.memory_space<vmem>>) dst(%dma_wait3A_149 : memref<320x128xf32, #tpu.memory_space<hbm>>)
      tpu.yield
    }) : () -> ()
    %dma_wait3A = arith.constant 0 : i32
    %dma_wait3A_109 = arith.constant 0 : i32
    %dma_wait3A_110 = tpu.memref_slice %arg10[%dma_wait3A, %dma_wait3A_109] : memref<320x128xf32, #tpu.memory_space<vmem>> -> memref<80x128xf32, #tpu.memory_space<vmem>>
    %dma_wait3A_111 = arith.constant 0 : i32
    %dma_wait3A_112 = tpu.memref_slice %arg8[%dma_wait3A_111] : memref<320xi32, #tpu.memory_space<vmem>> -> memref<80xi32, #tpu.memory_space<vmem>>
    %dma_wait3A_113 = arith.constant 0 : i32
    %dma_wait3A_114 = arith.constant 0 : i32
    %dma_wait3A_115 = tpu.memref_slice %arg4[%dma_wait3A_113, %dma_wait3A_114] : memref<100000x128xf32, #tpu.memory_space<hbm>> -> memref<100000x128xf32, #tpu.memory_space<hbm>>
    tpu.wait_indirect_dma semaphore(%arg19 : memref<!tpu.dma_semaphore, #tpu.memory_space<semaphore_mem>>) src(%dma_wait3A_115 : memref<100000x128xf32, #tpu.memory_space<hbm>>) dst(%dma_wait3A_110 : memref<80x128xf32, #tpu.memory_space<vmem>>)
    %dma_wait3A_116 = arith.constant 80 : i32
    %dma_wait3A_117 = arith.constant 0 : i32
    %dma_wait3A_118 = tpu.memref_slice %arg10[%dma_wait3A_116, %dma_wait3A_117] : memref<320x128xf32, #tpu.memory_space<vmem>> -> memref<80x128xf32, #tpu.memory_space<vmem>>
    %dma_wait3A_119 = arith.constant 80 : i32
    %dma_wait3A_120 = tpu.memref_slice %arg8[%dma_wait3A_119] : memref<320xi32, #tpu.memory_space<vmem>> -> memref<80xi32, #tpu.memory_space<vmem>>
    %dma_wait3A_121 = arith.constant 0 : i32
    %dma_wait3A_122 = arith.constant 0 : i32
    %dma_wait3A_123 = tpu.memref_slice %arg4[%dma_wait3A_121, %dma_wait3A_122] : memref<100000x128xf32, #tpu.memory_space<hbm>> -> memref<100000x128xf32, #tpu.memory_space<hbm>>
    tpu.wait_indirect_dma semaphore(%arg19 : memref<!tpu.dma_semaphore, #tpu.memory_space<semaphore_mem>>) src(%dma_wait3A_123 : memref<100000x128xf32, #tpu.memory_space<hbm>>) dst(%dma_wait3A_118 : memref<80x128xf32, #tpu.memory_space<vmem>>)
    %dma_wait3A_124 = arith.constant 160 : i32
    %dma_wait3A_125 = arith.constant 0 : i32
    %dma_wait3A_126 = tpu.memref_slice %arg10[%dma_wait3A_124, %dma_wait3A_125] : memref<320x128xf32, #tpu.memory_space<vmem>> -> memref<80x128xf32, #tpu.memory_space<vmem>>
    %dma_wait3A_127 = arith.constant 160 : i32
    %dma_wait3A_128 = tpu.memref_slice %arg8[%dma_wait3A_127] : memref<320xi32, #tpu.memory_space<vmem>> -> memref<80xi32, #tpu.memory_space<vmem>>
    %dma_wait3A_129 = arith.constant 0 : i32
    %dma_wait3A_130 = arith.constant 0 : i32
    %dma_wait3A_131 = tpu.memref_slice %arg4[%dma_wait3A_129, %dma_wait3A_130] : memref<100000x128xf32, #tpu.memory_space<hbm>> -> memref<100000x128xf32, #tpu.memory_space<hbm>>
    tpu.wait_indirect_dma semaphore(%arg19 : memref<!tpu.dma_semaphore, #tpu.memory_space<semaphore_mem>>) src(%dma_wait3A_131 : memref<100000x128xf32, #tpu.memory_space<hbm>>) dst(%dma_wait3A_126 : memref<80x128xf32, #tpu.memory_space<vmem>>)
    %dma_wait3A_132 = arith.constant 240 : i32
    %dma_wait3A_133 = arith.constant 0 : i32
    %dma_wait3A_134 = tpu.memref_slice %arg10[%dma_wait3A_132, %dma_wait3A_133] : memref<320x128xf32, #tpu.memory_space<vmem>> -> memref<80x128xf32, #tpu.memory_space<vmem>>
    %dma_wait3A_135 = arith.constant 240 : i32
    %dma_wait3A_136 = tpu.memref_slice %arg8[%dma_wait3A_135] : memref<320xi32, #tpu.memory_space<vmem>> -> memref<80xi32, #tpu.memory_space<vmem>>
    %dma_wait3A_137 = arith.constant 0 : i32
    %dma_wait3A_138 = arith.constant 0 : i32
    %dma_wait3A_139 = tpu.memref_slice %arg4[%dma_wait3A_137, %dma_wait3A_138] : memref<100000x128xf32, #tpu.memory_space<hbm>> -> memref<100000x128xf32, #tpu.memory_space<hbm>>
    tpu.wait_indirect_dma semaphore(%arg19 : memref<!tpu.dma_semaphore, #tpu.memory_space<semaphore_mem>>) src(%dma_wait3A_139 : memref<100000x128xf32, #tpu.memory_space<hbm>>) dst(%dma_wait3A_134 : memref<80x128xf32, #tpu.memory_space<vmem>>)
    %mul3A_140 = arith.constant 320 : i32
    %mul3A_141 = arith.muli %add3A, %mul3A_140 : i32
    "tpu.region"() ({
      %run_scoped3A = tpu.sem_alloc : memref<!tpu.dma_semaphore, #tpu.memory_space<semaphore_mem>>
      %dma_start3A_142 = arith.constant 0 : i32
      %dma_start3A_143 = tpu.memref_slice %arg5[%mul3A_141, %dma_start3A_142] : memref<10240x128xf32, #tpu.memory_space<hbm>> -> memref<320x128xf32, #tpu.memory_space<hbm>>
      %dma_start3A_144 = arith.constant 0 : i32
      %dma_start3A_145 = tpu.memref_slice %arg5[%mul3A_141, %dma_start3A_144] : memref<10240x128xf32, #tpu.memory_space<hbm>> -> memref<320x128xf32, #tpu.memory_space<hbm>>
      tpu.enqueue_dma source(%arg10 : memref<320x128xf32, #tpu.memory_space<vmem>>) target(%dma_start3A_145 : memref<320x128xf32, #tpu.memory_space<hbm>>) target_semaphore(%run_scoped3A : memref<!tpu.dma_semaphore, #tpu.memory_space<semaphore_mem>>)
      %dma_wait3A_146 = arith.constant 0 : i32
      %dma_wait3A_147 = tpu.memref_slice %arg5[%mul3A_141, %dma_wait3A_146] : memref<10240x128xf32, #tpu.memory_space<hbm>> -> memref<320x128xf32, #tpu.memory_space<hbm>>
      %dma_wait3A_148 = arith.constant 0 : i32
      %dma_wait3A_149 = tpu.memref_slice %arg5[%mul3A_141, %dma_wait3A_148] : memref<10240x128xf32, #tpu.memory_space<hbm>> -> memref<320x128xf32, #tpu.memory_space<hbm>>
      tpu.wait_dma2 semaphore(%run_scoped3A : memref<!tpu.dma_semaphore, #tpu.memory_space<semaphore_mem>>) src(%arg10 : memref<320x128xf32, #tpu.memory_space<vmem>>) dst(%dma_wait3A_149 : memref<320x128xf32, #tpu.memory_space<hbm>>)
      tpu.yield
    }) : () -> ()
    return
  }
}

</mosaic_0001>

<sc_bundles>
// kernel: _sc_gather.3.cloned.1.call-start
scs
__scs_entry_jumppad:
0x0: {  	(pc) =	sbr.rel $0x88, $3  }
0x1: {  	(tag) =	ssettag $0x0;
	lr =	simm.s32 $0x1  }
0x2: {  	[smem:$0x3F9E] =	sst lr;
	_ =	strace $0xD0000000  }
0x3: {  	_ = 	snop  }
0x4: {  	_ = 	snop  }
0x5: {  	_ = 	snop  }
0x6: {  	_ = 	snop  }
0x7: {  	_ = 	snop  }
__scs_overlays_trampoline_lowered:
0x8: {  	[smem:$0x3FAD] =	sst s0  }
0x9: {  	[smem:$0x3FAE] =	sst s1  }
0xa: {  	[smem:$0x3FAF] =	sst s2  }
0xb: {  	[smem:$0x3FB0] =	sst s3  }
0xc: {  	[smem:$0x3FB1] =	sst s4  }
0xd: {  	[smem:$0x3FB2] =	sst s5  }
0xe: {  	[smem:$0x3FB3] =	sst s6  }
0xf: {  	[smem:$0x3FB4] =	sst s7  }
0x10: {  	[smem:$0x3FB5] =	sst s8  }
0x11: {  	[smem:$0x3FB6] =	sst s9;
	s0 =	simm.s32 @!p0 $0x0  }
0x12: {  	s1 =	sld [smem:$0x3F9C];
	s0 =	simm.s32 @p0 $0x1  }
0x13: {  	[smem:$0x3FB7] =	sst s0;
	s0 =	simm.s32 @!p1 $0x0  }
0x14: {  	s2 =	sld [smem:$0x3F9B];
	s0 =	simm.s32 @p1 $0x1  }
0x15: {  	[smem:$0x3FB8] =	sst s0;
	s0 =	simm.s32 @!p2 $0x0  }
0x16: {  	s3 =	sld [smem:$0x3FDB];
	s0 =	simm.s32 @p2 $0x1  }
0x17: {  	s4 =	simm.s32 $0x1BF5;
	[smem:$0x3FBA] =	sst s0  }
0x18: {  	s0 =	sld [smem:$0x3F9D];
	_ =	swait.ge [sflag:s4], $0x0  }
0x19: {  	s7 =	sld [smem:$0x3F9E]  }
0x1a: {  	s8 =	sadd.s32 $0xFFFFE003, lr  }
0x1b: {  	s9 =	sadd.s32 $0xFFFFFEF7, lr;
	s5 =	simm.s32 $0xFFFFFFFF;
	p2 =	slt.u32 s8, $0xFFFFF086  }
0x1c: {  	p1 =	slt.u32 s9, $0xF7A;
	s5 =	simm.s32 @!p2 $0x0  }
0x1d: {  	s5 =	simm.s32 @p1 $0x1;
	p0 =	seq.s32 s7, s2  }
0x1e: {  	s7 =	smul.u32 @!p0 $0xF7A, s2;
	p2 =	seq.s32 @!p0 s5, $0x0  }
0x1f: {  	s9 =	smul.u32 $0xF7A, s1;
	s8 =	simm.s32 @!p0 $0x1BF5;
	p2 =	por !p2, p0  }
0x20: {  	[sflag:s8] =	ssyncset.s32 @!p0 $0xFFFFF086;
	s6 =	sadd.s32 @!p0 s3, s7;
	s7 =	simm.s32 @!p0 $0x108  }
0x21: {  	s3 =	sadd.s32 s3, s9;
	s6 =	sadd.s32 @!p0 $0x88, s6;
	s7 =	simm.s32 @p2 $0x1082  }
0x22: {  	[simem:s7], [sflag:s8] =	dma.local @!p0 [hbm:s6], $0xF7A  }
0x23: {  	s9 =	sor.u32 $0xD0000000, s2;
	s6 =	simm.s32 $0x108;
	_ =	swait.ge @!p0 [sflag:s8], $0x0  }
0x24: {  	s3 =	sadd.s32 $0x88, s3;
	s6 =	simm.s32 @!p1 $0x1082;
	[sflag:s4] =	ssyncset.s32 $0xFFFFF086  }
0x25: {  	[simem:s6], [sflag:s4] =	dma.local [hbm:s3], $0xF7A  }
0x26: {  	[smem:$0x3F9E] =	sst s1;
	(tag) =	ssettag s2;
	_ =	strace s9  }
0x27: {  	s1 =	sld [smem:$0x3FAE]  }
0x28: {  	s2 =	sld [smem:$0x3FAF]  }
0x29: {  	s4 =	sld [smem:$0x3FB1]  }
0x2a: {  	p0 =	seq.s32 s5, $0x0;
	s5 =	sld [smem:$0x3FB2]  }
0x2b: {  	s6 =	sld [smem:$0x3FB3]  }
0x2c: {  	s7 =	sld [smem:$0x3FB4]  }
0x2d: {  	s3 =	simm.s32 $0x108;
	s8 =	sld [smem:$0x3FB5]  }
0x2e: {  	s3 =	simm.s32 @!p0 $0x1082;
	s9 =	sld [smem:$0x3FB6]  }
0x2f: {  	lr =	sadd.s32 s0, s3;
	s0 =	sld [smem:$0x3FAD]  }
0x30: {  	s3 =	sld [smem:$0x3FB0]  }
0x31: {  	[smem:$0x3FB9] =	sst s10  }
0x32: {  	s10 =	sld [smem:$0x3FB7];
	_ =	sdelay $0x3  }
0x33: {  	p0 =	seq.s32 s10, $0x1;
	s10 =	sld [smem:$0x3FB9];
	_ =	sdelay $0x3  }
0x34: {  	[smem:$0x3FB9] =	sst s10  }
0x35: {  	s10 =	sld [smem:$0x3FB8];
	_ =	sdelay $0x3  }
0x36: {  	p1 =	seq.s32 s10, $0x1;
	s10 =	sld [smem:$0x3FB9];
	_ =	sdelay $0x3  }
0x37: {  	[smem:$0x3FB9] =	sst s10  }
0x38: {  	s10 =	sld [smem:$0x3FBA]  }
0x39: {  	_ = 	snop;
	(pc) =	sbr.ind lr, $3  }
0x3a: {  	_ = 	snop  }
0x3b: {  	_ = 	snop  }
0x3c: {  	p2 =	seq.s32 s10, $0x1;
	s10 =	sld [smem:$0x3FB9]  }
0x3d: {  	_ =	shalt  }
0x3e: {  	_ =	shalt  }
0x3f: {  	_ =	shalt  }
0x40: {  	_ =	shalt  }
0x41: {  	_ =	shalt  }
0x42: {  	_ =	shalt  }
0x43: {  	_ =	shalt  }
0x44: {  	_ =	shalt  }
0x45: {  	_ =	shalt  }
0x46: {  	_ =	shalt  }
0x47: {  	_ =	shalt  }
0x48: {  	_ =	shalt  }
0x49: {  	_ =	shalt  }
0x4a: {  	_ =	shalt  }
0x4b: {  	_ =	shalt  }
0x4c: {  	_ =	shalt  }
0x4d: {  	_ =	shalt  }
0x4e: {  	_ =	shalt  }
0x4f: {  	_ =	shalt  }
0x50: {  	_ =	shalt  }
0x51: {  	_ =	shalt  }
0x52: {  	_ =	shalt  }
0x53: {  	_ =	shalt  }
0x54: {  	_ =	shalt  }
0x55: {  	_ =	shalt  }
0x56: {  	_ =	shalt  }
0x57: {  	_ =	shalt  }
0x58: {  	_ =	shalt  }
0x59: {  	_ =	shalt  }
0x5a: {  	_ =	shalt  }
0x5b: {  	_ =	shalt  }
0x5c: {  	_ =	shalt  }
0x5d: {  	_ =	shalt  }
0x5e: {  	_ =	shalt  }
0x5f: {  	_ =	shalt  }
0x60: {  	_ =	shalt  }
0x61: {  	_ =	shalt  }
0x62: {  	_ =	shalt  }
0x63: {  	_ =	shalt  }
0x64: {  	_ =	shalt  }
0x65: {  	_ =	shalt  }
0x66: {  	_ =	shalt  }
0x67: {  	_ =	shalt  }
0x68: {  	_ =	shalt  }
0x69: {  	_ =	shalt  }
0x6a: {  	_ =	shalt  }
0x6b: {  	_ =	shalt  }
0x6c: {  	_ =	shalt  }
0x6d: {  	_ =	shalt  }
0x6e: {  	_ =	shalt  }
0x6f: {  	_ =	shalt  }
0x70: {  	_ =	shalt  }
0x71: {  	_ =	shalt  }
0x72: {  	_ =	shalt  }
0x73: {  	_ =	shalt  }
0x74: {  	_ =	shalt  }
0x75: {  	_ =	shalt  }
0x76: {  	_ =	shalt  }
0x77: {  	_ =	shalt  }
0x78: {  	_ =	shalt  }
0x79: {  	_ =	shalt  }
0x7a: {  	_ =	shalt  }
0x7b: {  	_ =	shalt  }
0x7c: {  	_ =	shalt  }
0x7d: {  	_ =	shalt  }
0x7e: {  	_ =	shalt  }
0x7f: {  	_ =	shalt  }
0x80: {  	_ =	shalt  }
0x81: {  	_ =	shalt  }
0x82: {  	_ =	shalt  }
0x83: {  	_ =	shalt  }
0x84: {  	_ =	shalt  }
0x85: {  	_ =	shalt  }
0x86: {  	_ =	shalt  }
0x87: {  	_ =	shalt  }
.Lfunc_end0:
.L_simem_size_0:
called_computation_lowered:
.L_overlay_start_0:
0x88: {  	s2 =	sld [smem:$0x3FD9]  }
0x89: {  	s3 =	sld [smem:$0x3FFE];
	_ =	sdelay $0x1  }
0x8a: {  	s1 =	srdreg.scid  }
0x8b: {  	s0 =	sand.u32 $0x1, s1  }
0x8c: {  	s15 =	sshll.u32 s0, $0xA;
	s2 =	sadd.s32 s3, s2  }
0x8d: {  	s2 =	sadd.s32 s2, s15  }
0x8e: {  	[smem:$0x3FC5] =	sst s2  }
0x8f: {  	_ = 	snop  }
0x90: {  	s2 =	sld [smem:$0x3FD0]  }
0x91: {  	s16 =	sld [smem:$0x3FC9]  }
0x92: {  	s4 =	sld [smem:$0x3FC8]  }
0x93: {  	s6 =	simm.s32 $0xA;
	s7 =	simm.s32 $0x10;
	s5 =	sld [smem:$0x3FC7]  }
0x94: {  	[smem:s7], [sflag:s6] =	dma.local [hbm:s2], $0x1  }
0x95: {  	_ =	swait.eq [sflag:s6], $0x1  }
0x96: {  	[sflag:s6] =	ssyncset.done $0x0  }
0x97: {  	s17 =	sld [smem:$0x10];
	[sflag:s6] =	ssyncadd.s32 $0xFFFFFFFF  }
0x98: {  	s18 =	sld [smem:$0x11];
	(tm) =	ssettm $0x1  }
0x99: {  	s19 =	sld [smem:$0x3FFB];
	_ =	sdelay $0x3  }
0x9a: {  	_ =	strace s19  }
0x9b: {  	s7 =	sld [smem:$0x3FFC];
	_ =	sdelay $0x3  }
0x9c: {  	_ =	strace s7  }
0x9d: {  	s7 =	sld [smem:$0x3FFD];
	_ =	sdelay $0x3  }
0x9e: {  	_ =	strace s7  }
0x9f: {  	_ =	strace $0x8FFFFFFF  }
0xa0: {  	s20 =	sld [smem:$0x3FDB];
	_ =	sdelay $0x1  }
0xa1: {  	s8 =	simm.s32 $_scs_section_size  }
0xa2: {  	s9 =	simm.s32 $_size__tile_overlayer_lowered;
	s10 =	simm.s32 $_tile_overlayer_lowered  }
0xa3: {  	s23 =	simm.s32 $0x1BFF;
	s22 =	sshll.u32 s10, $0x1;
	s7 =	sadd.s32 s8, s20  }
0xa4: {  	s11 =	simm.s32 $0x0;
	s21 =	sshll.u32 s9, $0x1;
	s9 =	sadd.s32 s22, s7  }
0xa5: {  	[timem:s11], [sflag:s23] =	dma.local [hbm:s9], s21  }
0xa6: {  	_ =	swait.ge [sflag:s23], s21  }
0xa7: {  	s8 =	ssub.s32 $0x0, s21;
	[sflag:s23] =	ssyncset.done $0x0  }
0xa8: {  	[sflag:s23] =	ssyncadd.s32 s8;
	_ =	sdelay $0x1  }
0xa9: {  	s24 =	simm.s32 $0x1B8B  }
0xaa: {  	_ =	swait.ge [sflag:s24], $0x1  }
0xab: {  	[sflag:s24] =	ssyncset.done $0x0  }
0xac: {  	s25 =	simm.s32 $0x1B8E;
	[sflag:s24] =	ssyncadd.s32 $0xFFFFFFFF  }
0xad: {  	s26 =	simm.s32 $execute0_lowered;
	[smem:$0x3FD2] =	sst s25  }
0xae: {  	s8 =	sshll.u32 s26, $0x1;
	_ =	strace $0x80000046;
	[dreg:$0x1] =	wrdreg $0xFFFFFFFF  }
0xaf: {  	s28 =	simm.s32 $_size_execute0_lowered;
	s7 =	sadd.s32 s7, s8;
	[dreg:$0x0] =	wrdreg $0x0  }
0xb0: {  	s8 =	sshll.u32 s28, $0x1;
	[dreg:$0x2] =	wrdreg s7  }
0xb1: {  	[dreg:$0x3] =	wrdreg s8  }
0xb2: {  	[dreg:$0x4] =	wrdreg $0xC0  }
0xb3: {  	_ =	task [dreg:s11], $0x5FFFF  }
0xb4: {  	[dreg:$0x1] =	wrdreg $0xFFFFFFFF  }
0xb5: {  	[dreg:$0x0] =	wrdreg $0x60  }
0xb6: {  	[dreg:$0x2] =	wrdreg s16  }
0xb7: {  	[dreg:$0x3] =	wrdreg s4  }
0xb8: {  	[dreg:$0x4] =	wrdreg s5  }
0xb9: {  	[dreg:$0x5] =	wrdreg s17  }
0xba: {  	[dreg:$0x6] =	wrdreg s18  }
0xbb: {  	[dreg:$0x7] =	wrdreg $0x9  }
0xbc: {  	_ =	task.clear_ibuf [dreg:s11], $0x8FFFF;
	_ =	strace $0x90000046  }
0xbd: {  	s29 =	simm.s32 $0x9;
	_ =	strace $0x80000048  }
0xbe: {  	_ =	swait.ge [sflag:s29], $0x1  }
0xbf: {  	[sflag:s29] =	ssyncadd.s32 $0xFFFFFFFF  }
0xc0: {  	_ =	strace $0x90000048  }
0xc1: {  	_ =	sfence  }
0xc2: {  	s30 =	sld [smem:$0x0];
	_ =	sdelay $0x2  }
0xc3: {  	s31 =	sshll.u32 s1, $0xD;
	s1 =	sshrl.u32 s1, $0x2  }
0xc4: {  	s3 =	sand.u32 $0x4000, s31;
	s1 =	sadd.s32 s1, s30  }
0xc5: {  	s0 =	sor.u32 s3, s0;
	s1 =	sshll.u32 s1, $0x11  }
0xc6: {  	s0 =	sor.u32 s1, s0  }
0xc7: {  	s0 =	sadd.s32 $0x8F2B, s0  }
0xc8: {  	[sflag:s0] =	ssyncadd.remote.s32 $0x1  }
0xc9: {  	_ =	sfence.sel $0xFFFF  }
0xca: {  	[dreg:$0x0] =	wrdreg $0xFFFFFFFF;
	(pc) =	sbr.abs _section_cstart, $3  }
0xcb: {  	[dreg:$0x1] =	wrdreg $0xFFFFFFFF  }
0xcc: {  	_ =	task.clear_ibuf [dreg:s11], $0x2FFFF;
	_ =	strace $0x9FFFFFFF  }
0xcd: {  	(tm) =	ssettm $0x7FFFFFFF  }
tec
execute0_lowered:
.L_overlay_start_1:
0x0: {  	(tag) =	ssettag $0x1  }
0x1: {  	s0 =	rddreg [dreg:$0x0]  }
0x2: {  	s2 =	rddreg [dreg:$0x1]  }
0x3: {  	s1 =	rddreg [dreg:$0x2]  }
0x4: {  	s3 =	srdreg.scid;
	s4 =	rddreg [dreg:$0x3]  }
0x5: {  	s6 =	stileid.u32;
	s26 =	rddreg [dreg:$0x4]  }
0x6: {  	s11 =	simm.s32 $0x50;
	s12 =	simm.s32 $0xC980;
	s19 =	simm.s32 $0x28  }
0x7: {  	s20 =	simm.s32 $0x2980;
	s21 =	simm.s32 $0x3D80;
	s22 =	simm.s32 $0x5180  }
0x8: {  	s24 =	simm.s32 $0x6580;
	s29 =	simm.s32 $0x8D80;
	s31 =	simm.s32 $0xA180  }
0x9: {  	s13 =	simm.s32 $0x1;
	s14 =	simm.s32 $0x2;
	s15 =	simm.s32 $0x3  }
0xa: {  	s16 =	simm.s32 $0x4;
	s17 =	simm.s32 $0x5;
	s18 =	simm.s32 $0x6  }
0xb: {  	s23 =	simm.s32 $0x7;
	s5 =	sand.u32 $0x1, s3;
	s25 =	sshll.u32 s6, $0x1  }
0xc: {  	s28 =	simm.s32 $0x9;
	s30 =	simm.s32 $0x0;
	s7 =	sor.u32 s5, s25  }
0xd: {  	s3 =	simm.s32 $0x0;
	s5 =	ssub.s32 $0x2, s5;
	s8 =	smul.u32 $0x28, s7  }
0xe: {  	[smem:$0x7FF] =	sst s3;
	s25 =	simm.s32 $0x8;
	s9 =	smul.u32 $0x500, s7  }
0xf: {  	s10 =	sshrl.u32 s5, $0x1;
	s7 =	smul.u32 $0x1400, s7;
	_ =	strace $0x80000047  }
0x10: {  	s10 =	ssub.s32 s5, s10;
	s2 =	sadd.s32 s2, s8;
	s0 =	sadd.s32 s0, s9  }
0x11: {  	s6 =	sadd.s32 s26, s7;
	s7 =	sadd.s32 s4, s7;
	s8 =	smax.u32 s10, $0x1  }
0x12: {  	s9 =	simm.s32 $0x2800;
	s10 =	simm.s32 $0xA;
	[dreg:$0x6] =	wrdreg s2  }
0x13: {  	s26 =	simm.s32 $0x7980;
	[dreg:$0x7] =	wrdreg s0;
	s0 =	simm.s32 $0xB580  }
.LBB2_1:
0x14: {  	s2 =	rddreg [dreg:$0x6]  }
0x15: {  	[tilespmem:s9], [sflag:$0xA] =	stream.linear.gather [hbm4b:s2+s3], $0x140, $0x38;
	[tilespmem:$0x16980] =	vst v63  }
0x16: {  	_ =	swait.ge [sflag:s10], $0x140  }
0x17: {  	[sflag:s10] =	ssyncset.done $0x0  }
0x18: {  	s4 =	rddreg [dreg:$0x7];
	[sflag:s10] =	ssyncadd.s32 $0xFFFFFEC0  }
0x19: {  	[tilespmem:s3], [sflag:$0xA] =	stream.linear.gather [hbm4b:s4+s3], $0x2800, $0x38;
	[tilespmem:$0x16980] =	vst v63  }
0x1a: {  	_ =	swait.ge [sflag:s10], $0x2800  }
0x1b: {  	[sflag:s10] =	ssyncset.done $0x0  }
0x1c: {  	[sflag:s10] =	ssyncadd.s32 $0xFFFFD800  }
0x1d: {  	[tilespmem:s12], [sflag:$0x9] =	stream.indirect.gather [hbm4b:s1+s11], $0x80, s9, s11, $0xb8;
	[tilespmem:$0x16980] =	vst v63  }
0x1e: {  	s5 =	simm.s32 $0x2850;
	s4 =	simm.s32 $0xF180  }
0x1f: {  	[tilespmem:s4], [sflag:$0x9] =	stream.indirect.gather [hbm4b:s1+s11], $0x80, s5, s11, $0xb8;
	[tilespmem:$0x16980] =	vst v63  }
0x20: {  	s4 =	simm.s32 $0x28A0;
	s5 =	simm.s32 $0x11980  }
0x21: {  	[tilespmem:s5], [sflag:$0x9] =	stream.indirect.gather [hbm4b:s1+s11], $0x80, s4, s11, $0xb8;
	[tilespmem:$0x16980] =	vst v63  }
0x22: {  	s4 =	simm.s32 $0x28F0;
	s5 =	simm.s32 $0x14180  }
0x23: {  	[tilespmem:s5], [sflag:$0x9] =	stream.indirect.gather [hbm4b:s1+s11], $0x80, s4, s11, $0xb8;
	[tilespmem:$0x16980] =	vst v63  }
0x24: {  	_ = 	snop  }
0x25: {  	[tilespmem:s20], [sflag:$0x1] =	stream.indirect.gather [hbm4b:s1+s19], $0x80, s3, s19, $0xb8;
	[tilespmem:$0x16980] =	vst v63  }
0x26: {  	_ = 	snop  }
0x27: {  	[tilespmem:s21], [sflag:$0x2] =	stream.indirect.gather [hbm4b:s1+s19], $0x80, s19, s19, $0xb8;
	[tilespmem:$0x16980] =	vst v63  }
0x28: {  	_ = 	snop  }
0x29: {  	[tilespmem:s22], [sflag:$0x3] =	stream.indirect.gather [hbm4b:s1+s19], $0x80, s11, s19, $0xb8;
	[tilespmem:$0x16980] =	vst v63  }
0x2a: {  	s4 =	simm.s32 $0x78  }
0x2b: {  	[tilespmem:s24], [sflag:$0x4] =	stream.indirect.gather [hbm4b:s1+s19], $0x80, s4, s19, $0xb8;
	[tilespmem:$0x16980] =	vst v63  }
0x2c: {  	s5 =	simm.s32 $0xA0  }
0x2d: {  	[tilespmem:s26], [sflag:$0x5] =	stream.indirect.gather [hbm4b:s1+s19], $0x80, s5, s19, $0xb8;
	[tilespmem:$0x16980] =	vst v63  }
0x2e: {  	s4 =	simm.s32 $0xC8  }
0x2f: {  	[tilespmem:s29], [sflag:$0x6] =	stream.indirect.gather [hbm4b:s1+s19], $0x80, s4, s19, $0xb8;
	[tilespmem:$0x16980] =	vst v63  }
0x30: {  	s5 =	simm.s32 $0xF0  }
0x31: {  	[tilespmem:s31], [sflag:$0x7] =	stream.indirect.gather [hbm4b:s1+s19], $0x80, s5, s19, $0xb8;
	[tilespmem:$0x16980] =	vst v63  }
0x32: {  	s4 =	simm.s32 $0x118  }
0x33: {  	[tilespmem:s0], [sflag:$0x8] =	stream.indirect.gather [hbm4b:s1+s19], $0x80, s4, s19, $0xb8;
	[tilespmem:$0x16980] =	vst v63  }
0x34: {  	_ =	swait.ge [sflag:s13], $0x1400  }
0x35: {  	[sflag:s13] =	ssyncset.done $0x0  }
0x36: {  	s5 =	simm.s32 $0x140;
	[sflag:s13] =	ssyncadd.s32 $0xFFFFEC00  }
0x37: {  	[tilespmem:s20], [sflag:$0x1] =	stream.indirect.gather.add.f32 [hbm:s1], $0x80, s5, s19, $0xb8;
	[tilespmem:$0x16980] =	vst v63  }
0x38: {  	_ =	swait.ge [sflag:s14], $0x1400  }
0x39: {  	[sflag:s14] =	ssyncset.done $0x0  }
0x3a: {  	s4 =	simm.s32 $0x168;
	[sflag:s14] =	ssyncadd.s32 $0xFFFFEC00  }
0x3b: {  	[tilespmem:s21], [sflag:$0x2] =	stream.indirect.gather.add.f32 [hbm:s1], $0x80, s4, s19, $0xb8;
	[tilespmem:$0x16980] =	vst v63  }
0x3c: {  	_ =	swait.ge [sflag:s15], $0x1400  }
0x3d: {  	[sflag:s15] =	ssyncset.done $0x0  }
0x3e: {  	s5 =	simm.s32 $0x190;
	[sflag:s15] =	ssyncadd.s32 $0xFFFFEC00  }
0x3f: {  	[tilespmem:s22], [sflag:$0x3] =	stream.indirect.gather.add.f32 [hbm:s1], $0x80, s5, s19, $0xb8;
	[tilespmem:$0x16980] =	vst v63  }
0x40: {  	_ =	swait.ge [sflag:s16], $0x1400  }
0x41: {  	[sflag:s16] =	ssyncset.done $0x0  }
0x42: {  	s4 =	simm.s32 $0x1B8;
	[sflag:s16] =	ssyncadd.s32 $0xFFFFEC00  }
0x43: {  	[tilespmem:s24], [sflag:$0x4] =	stream.indirect.gather.add.f32 [hbm:s1], $0x80, s4, s19, $0xb8;
	[tilespmem:$0x16980] =	vst v63  }
0x44: {  	_ =	swait.ge [sflag:s17], $0x1400  }
0x45: {  	[sflag:s17] =	ssyncset.done $0x0  }
0x46: {  	s5 =	simm.s32 $0x1E0;
	[sflag:s17] =	ssyncadd.s32 $0xFFFFEC00  }
0x47: {  	[tilespmem:s26], [sflag:$0x5] =	stream.indirect.gather.add.f32 [hbm:s1], $0x80, s5, s19, $0xb8;
	[tilespmem:$0x16980] =	vst v63  }
0x48: {  	_ =	swait.ge [sflag:s18], $0x1400  }
0x49: {  	[sflag:s18] =	ssyncset.done $0x0  }
0x4a: {  	s4 =	simm.s32 $0x208;
	[sflag:s18] =	ssyncadd.s32 $0xFFFFEC00  }
0x4b: {  	[tilespmem:s29], [sflag:$0x6] =	stream.indirect.gather.add.f32 [hbm:s1], $0x80, s4, s19, $0xb8;
	[tilespmem:$0x16980] =	vst v63  }
0x4c: {  	_ =	swait.ge [sflag:s23], $0x1400  }
0x4d: {  	[sflag:s23] =	ssyncset.done $0x0  }
0x4e: {  	s5 =	simm.s32 $0x230;
	[sflag:s23] =	ssyncadd.s32 $0xFFFFEC00  }
0x4f: {  	[tilespmem:s31], [sflag:$0x7] =	stream.indirect.gather.add.f32 [hbm:s1], $0x80, s5, s19, $0xb8;
	[tilespmem:$0x16980] =	vst v63  }
0x50: {  	_ =	swait.ge [sflag:s25], $0x1400  }
0x51: {  	[sflag:s25] =	ssyncset.done $0x0  }
0x52: {  	s2 =	simm.s32 $0x500;
	s4 =	simm.s32 $0x258;
	[sflag:s25] =	ssyncadd.s32 $0xFFFFEC00  }
.LBB2_2:
0x53: {  	[tilespmem:s0], [sflag:$0x8] =	stream.indirect.gather.add.f32 [hbm:s1], $0x80, s4, s19, $0xb8;
	[tilespmem:$0x16980] =	vst v63  }
0x54: {  	s4 =	smov.u32 s2  }
0x55: {  	p0 =	sne.s32 s2, $0x9600;
	s2 =	sadd.s32 $0x500, s2;
	_ =	swait.ge [sflag:s13], $0x1400  }
0x56: {  	s4 =	sshra.s32 s4, $0x2;
	[sflag:s13] =	ssyncset.done $0x0  }
0x57: {  	s5 =	sadd.s32 $0x140, s4;
	[sflag:s13] =	ssyncadd.s32 $0xFFFFEC00  }
0x58: {  	[tilespmem:s20], [sflag:$0x1] =	stream.indirect.gather.add.f32 [hbm:s1], $0x80, s5, s19, $0xb8;
	[tilespmem:$0x16980] =	vst v63  }
0x59: {  	_ =	swait.ge [sflag:s14], $0x1400  }
0x5a: {  	[sflag:s14] =	ssyncset.done $0x0  }
0x5b: {  	s5 =	sadd.s32 $0x168, s4;
	[sflag:s14] =	ssyncadd.s32 $0xFFFFEC00  }
0x5c: {  	[tilespmem:s21], [sflag:$0x2] =	stream.indirect.gather.add.f32 [hbm:s1], $0x80, s5, s19, $0xb8;
	[tilespmem:$0x16980] =	vst v63  }
0x5d: {  	_ =	swait.ge [sflag:s15], $0x1400  }
0x5e: {  	[sflag:s15] =	ssyncset.done $0x0  }
0x5f: {  	s5 =	sadd.s32 $0x190, s4;
	[sflag:s15] =	ssyncadd.s32 $0xFFFFEC00  }
0x60: {  	[tilespmem:s22], [sflag:$0x3] =	stream.indirect.gather.add.f32 [hbm:s1], $0x80, s5, s19, $0xb8;
	[tilespmem:$0x16980] =	vst v63  }
0x61: {  	_ =	swait.ge [sflag:s16], $0x1400  }
0x62: {  	[sflag:s16] =	ssyncset.done $0x0  }
0x63: {  	s5 =	sadd.s32 $0x1B8, s4;
	[sflag:s16] =	ssyncadd.s32 $0xFFFFEC00  }
0x64: {  	[tilespmem:s24], [sflag:$0x4] =	stream.indirect.gather.add.f32 [hbm:s1], $0x80, s5, s19, $0xb8;
	[tilespmem:$0x16980] =	vst v63  }
0x65: {  	_ =	swait.ge [sflag:s17], $0x1400  }
0x66: {  	[sflag:s17] =	ssyncset.done $0x0  }
0x67: {  	s5 =	sadd.s32 $0x1E0, s4;
	[sflag:s17] =	ssyncadd.s32 $0xFFFFEC00  }
0x68: {  	[tilespmem:s26], [sflag:$0x5] =	stream.indirect.gather.add.f32 [hbm:s1], $0x80, s5, s19, $0xb8;
	[tilespmem:$0x16980] =	vst v63  }
0x69: {  	_ =	swait.ge [sflag:s18], $0x1400  }
0x6a: {  	[sflag:s18] =	ssyncset.done $0x0  }
0x6b: {  	s5 =	sadd.s32 $0x208, s4;
	[sflag:s18] =	ssyncadd.s32 $0xFFFFEC00  }
0x6c: {  	[tilespmem:s29], [sflag:$0x6] =	stream.indirect.gather.add.f32 [hbm:s1], $0x80, s5, s19, $0xb8;
	[tilespmem:$0x16980] =	vst v63  }
0x6d: {  	_ =	swait.ge [sflag:s23], $0x1400  }
0x6e: {  	[sflag:s23] =	ssyncset.done $0x0  }
.Ltmp0:
0x6f: {  	s5 =	sadd.s32 $0x230, s4;
	[sflag:s23] =	ssyncadd.s32 $0xFFFFEC00;
	(pc) =	sbr.rel @p0 .LBB2_2-.Ltmp0, $4  }
0x70: {  	[tilespmem:s31], [sflag:$0x7] =	stream.indirect.gather.add.f32 [hbm:s1], $0x80, s5, s19, $0xb8;
	[tilespmem:$0x16980] =	vst v63  }
0x71: {  	_ =	swait.ge [sflag:s25], $0x1400  }
0x72: {  	[sflag:s25] =	ssyncset.done $0x0  }
0x73: {  	s4 =	sadd.s32 $0x258, s4;
	[sflag:s25] =	ssyncadd.s32 $0xFFFFEC00  }
0x74: {  	[tilespmem:s0], [sflag:$0x8] =	stream.indirect.gather.add.f32 [hbm:s1], $0x80, s4, s19, $0xb8;
	[tilespmem:$0x16980] =	vst v63  }
0x75: {  	_ =	swait.ge [sflag:s13], $0x1400  }
0x76: {  	[sflag:s13] =	ssyncset.done $0x0  }
0x77: {  	[sflag:s13] =	ssyncadd.s32 $0xFFFFEC00  }
0x78: {  	_ =	swait.ge [sflag:s14], $0x1400  }
0x79: {  	[sflag:s14] =	ssyncset.done $0x0  }
0x7a: {  	[sflag:s14] =	ssyncadd.s32 $0xFFFFEC00  }
0x7b: {  	_ =	swait.ge [sflag:s15], $0x1400  }
0x7c: {  	[sflag:s15] =	ssyncset.done $0x0  }
0x7d: {  	[sflag:s15] =	ssyncadd.s32 $0xFFFFEC00  }
0x7e: {  	_ =	swait.ge [sflag:s16], $0x1400  }
0x7f: {  	[sflag:s16] =	ssyncset.done $0x0  }
0x80: {  	[sflag:s16] =	ssyncadd.s32 $0xFFFFEC00  }
0x81: {  	_ =	swait.ge [sflag:s17], $0x1400  }
0x82: {  	[sflag:s17] =	ssyncset.done $0x0  }
0x83: {  	[sflag:s17] =	ssyncadd.s32 $0xFFFFEC00  }
0x84: {  	_ =	swait.ge [sflag:s18], $0x1400  }
0x85: {  	[sflag:s18] =	ssyncset.done $0x0  }
0x86: {  	[sflag:s18] =	ssyncadd.s32 $0xFFFFEC00  }
0x87: {  	_ =	swait.ge [sflag:s23], $0x1400  }
0x88: {  	[sflag:s23] =	ssyncset.done $0x0  }
0x89: {  	[sflag:s23] =	ssyncadd.s32 $0xFFFFEC00  }
0x8a: {  	_ =	swait.ge [sflag:s25], $0x1400  }
0x8b: {  	[sflag:s25] =	ssyncset.done $0x0  }
0x8c: {  	[sflag:s25] =	ssyncadd.s32 $0xFFFFEC00  }
0x8d: {  	[hbm4b:s6+s3] =	stream.linear.scatter [tilespmem:s20], [sflag:$0xA], $0xA000, $0x38;
	[tilespmem:$0x16980] =	vst v63  }
0x8e: {  	_ =	swait.ge [sflag:s10], $0xA000  }
0x8f: {  	[sflag:s10] =	ssyncset.done $0x0  }
0x90: {  	[sflag:s10] =	ssyncadd.s32 $0xFFFF6000  }
0x91: {  	_ =	swait.ge [sflag:s28], $0x2800  }
0x92: {  	[sflag:s28] =	ssyncset.done $0x0  }
0x93: {  	[sflag:s28] =	ssyncadd.s32 $0xFFFFD800  }
0x94: {  	_ =	swait.ge [sflag:s28], $0x2800  }
0x95: {  	[sflag:s28] =	ssyncset.done $0x0  }
0x96: {  	[sflag:s28] =	ssyncadd.s32 $0xFFFFD800  }
0x97: {  	_ =	swait.ge [sflag:s28], $0x2800  }
0x98: {  	[sflag:s28] =	ssyncset.done $0x0  }
0x99: {  	[sflag:s28] =	ssyncadd.s32 $0xFFFFD800  }
0x9a: {  	s30 =	sadd.s32 $0x1, s30;
	_ =	swait.ge [sflag:s28], $0x2800  }
0x9b: {  	p0 =	sne.s32 s30, s8;
	[sflag:s28] =	ssyncset.done $0x0  }
.Ltmp1:
0x9c: {  	[sflag:s28] =	ssyncadd.s32 $0xFFFFD800;
	(pc) =	sbr.rel @p0 .LBB2_1-.Ltmp1, $4  }
0x9d: {  	[hbm4b:s7+s3] =	stream.linear.scatter [tilespmem:s12], [sflag:$0xA], $0xA000, $0x38;
	[tilespmem:$0x16980] =	vst v63  }
0x9e: {  	_ =	swait.ge [sflag:s10], $0xA000  }
0x9f: {  	[sflag:s10] =	ssyncset.done $0x0  }
0xa0: {  	[sflag:s10] =	ssyncadd.s32 $0xFFFF6000  }
0xa1: {  	_ =	sfence.sel $0x180000  }
0xa2: {  	[bflag:$0x0] =	sbarrier.arrive $0xFFFF  }
0xa3: {  	_ =	strace $0x90000047  }
0xa4: {  	s0 =	stileid.u32;
	[bflag:$0x2] =	sbarrier.arrive $0xFFFF  }
0xa5: {  	p0 =	sne.s32 s0, $0x0;
	s0 =	rddreg [dreg:$0x5]  }
0xa6: {  	s0 =	sadd.s32 @!p0 $0x100000, s0  }
0xa7: {  	[sflag:s0] =	ssyncadd.tile.s32 @!p0 $0x1;
	_ =	shalt  }
.Lfunc_end2:
_tile_overlayer_lowered:
.L_overlay_start_2:
0xa8: {  	(tag) =	ssettag $0x2  }
0xa9: {  	s0 =	rddreg [dreg:$0x0];
	s2 =	stileid.u32  }
0xaa: {  	s1 =	rddreg [dreg:$0x1];
	p0 =	sne.s32 s2, $0x0  }
0xab: {  	s3 =	rddreg [dreg:$0x2];
	[bflag:$0x3] =	sbarrier.arrive $0xFFFF;
	s2 =	simm.s32 @!p0 $0x1C0A  }
0xac: {  	[timem:s3], [sflag:s2] =	dma.local @!p0 [hbm:s0], s1  }
0xad: {  	s0 =	simm.s32 @!p0 $0xA  }
0xae: {  	_ =	swait.ge @!p0 [sflag:s0], s1  }
0xaf: {  	s1 =	ssub.s32 @!p0 $0x0, s1;
	[sflag:s0] =	ssyncset.done @!p0 $0x0  }
0xb0: {  	[sflag:s0] =	ssyncadd.s32 @!p0 s1  }
0xb1: {  	[bflag:$0x3] =	sbarrier.arrive $0xFFFF  }
0xb2: {  	_ =	shalt  }

</sc_bundles>
